<compile_context>
chip_gen: v7x
topology: tpu7x:2x2x1
jax: 0.10.2.dev20260603
libtpu: 0.0.44.dev20260713+nightly
codegen_flags: <defaults>
</compile_context>

<pallas_src>
import jax
import jax.numpy as jnp
from jax import lax
from jax.experimental import pallas as pl
from jax.experimental.pallas import tpu as pltpu
from jax.experimental.pallas import tpu_sc as plsc

H = 128
B = 1048576
NC = 2
NS = 16
NW = NC * NS
L = 16

PER_W = B // NW
CHUNK = 8192
N_CHUNKS = PER_W // CHUNK


def _sc_body(x_hbm, inds_hbm, rad_hbm, out_hbm, x_v, flat_v, idx_v,
             rows_v, sem_idx, sem_rows):
    wid = lax.axis_index("s") * NC + lax.axis_index("c")
    lanes = lax.iota(jnp.int32, L)
    fH = jnp.float32(H)
    zero = jnp.int32(0)
    hi = jnp.int32(H - 1)

    for c in range(N_CHUNKS):
        pbase = wid * PER_W + c * CHUNK
        pltpu.sync_copy(x_hbm.at[pl.ds(3 * pbase, 3 * CHUNK)], x_v)

        def compute(g, _):
            off = pl.multiple_of(g * L, L)
            base3 = off * 3 + lanes * 3
            gx = plsc.load_gather(x_v, [base3])
            gy = plsc.load_gather(x_v, [base3 + 1])
            gz = plsc.load_gather(x_v, [base3 + 2])
            xi = jnp.clip((gx * fH).astype(jnp.int32), zero, hi)
            yi = jnp.clip((gy * fH).astype(jnp.int32), zero, hi)
            zi = jnp.clip((gz * fH).astype(jnp.int32), zero, hi)
            flat_v[pl.ds(off, L)] = (zi * H + yi) * H + xi
            return 0

        lax.fori_loop(0, CHUNK // L, compute, 0, unroll=4)

        pltpu.async_copy(inds_hbm.at[flat_v], idx_v, sem_idx).wait()

        pltpu.async_copy(rad_hbm.at[idx_v], rows_v, sem_rows).wait()
        pltpu.sync_copy(rows_v, out_hbm.at[pl.ds(pbase, CHUNK), :])


@jax.jit
def _voxel_slf(x_flat, inds_p1, rad_pad):
    mesh = plsc.VectorSubcoreMesh(core_axis_name="c", subcore_axis_name="s")
    run = pl.kernel(
        _sc_body,
        out_type=jax.ShapeDtypeStruct((B, 3), jnp.float32),
        mesh=mesh,
        scratch_types=[
            pltpu.VMEM((3 * CHUNK,), jnp.float32),
            pltpu.VMEM((CHUNK,), jnp.int32),
            pltpu.VMEM((CHUNK,), jnp.int32),
            pltpu.VMEM((CHUNK, 3), jnp.float32),
            pltpu.SemaphoreType.DMA,
            pltpu.SemaphoreType.DMA,
        ],
        compiler_params=pltpu.CompilerParams(
            needs_layout_passes=False, use_tc_tiling_on_sc=False),
    )
    return run(x_flat, inds_p1, rad_pad)


def kernel(x, inds, radiance):
    x_flat = x.reshape(-1)
    inds_p1 = inds.reshape(-1).astype(jnp.int32) + 1
    rad_pad = jnp.concatenate(
        [jnp.zeros((1, 3), jnp.float32), radiance], axis=0)
    return _voxel_slf(x_flat, inds_p1, rad_pad)

# --- scband reference (transcript-rebuilt; emitter-appended) ---
"""Pipeline reference for scband-voxel-slf-53455162966344 (READ-ONLY COPY).

The authoritative reference and input builder live on the scoring server;
editing this copy changes nothing except your own understanding.
"""

import jax, jax.numpy as jnp
import numpy as np

H = 128
B = 1048576
VOXEL_MIN = 0.0
VOXEL_MAX = 1.0


def setup_inputs(seed: int = 0) -> dict:
    key = jax.random.key(seed)
    # Occupancy mask (~30% occupied), deterministic via numpy seed
    rng = np.random.RandomState(0)
    mask_np = rng.rand(H, H, H) < 0.3
    kk, jj, ii = np.where(mask_np)
    M = len(ii)
    inds_np = -np.ones((H, H, H), dtype=np.int64)
    inds_np[kk, jj, ii] = np.arange(M, dtype=np.int64)
    inds = jnp.asarray(inds_np)
    radiance = jax.random.normal(jax.random.fold_in(key, 1), (M, 3), dtype=jnp.float32) * 0.1
    x = jax.random.uniform(jax.random.fold_in(key, 2), (B, 3), dtype=jnp.float32)
    return {"x": x, "inds": inds, "radiance": radiance}


def reference(x, inds, radiance):
    Hn = inds.shape[0]
    x_ = (x - VOXEL_MIN) / (VOXEL_MAX - VOXEL_MIN)
    xi = jnp.clip((x_ * Hn).astype(jnp.int64), 0, Hn - 1)
    idx = inds[xi[..., 2], xi[..., 1], xi[..., 0]]
    rad = jnp.take(radiance, idx, axis=0)
    rad = jnp.where((idx == -1)[..., None], jnp.float32(0.0), rad)
    return rad

if __name__ == "__main__":
    import jax
    _d = setup_inputs()
    print(jax.jit(kernel)(*tuple(_d.values())))

</pallas_src>

<mosaic_0001>
#map = affine_map<(d0, d1) -> (0)>
#map1 = affine_map<(d0, d1) -> (0, 0)>
module attributes {stable_mosaic.version = 14 : i64} {
  func.func @_sc_body(%arg0: i32, %arg1: i32, %arg2: memref<3145728xf32, #tpu.memory_space<hbm>>, %arg3: memref<2097152xi32, #tpu.memory_space<hbm>>, %arg4: memref<629791x3xf32, #tpu.memory_space<hbm>>, %arg5: memref<1048576x3xf32, #tpu.memory_space<hbm>>, %arg6: memref<24576xf32, #tpu.memory_space<vmem>>, %arg7: memref<8192xi32, #tpu.memory_space<vmem>>, %arg8: memref<8192xi32, #tpu.memory_space<vmem>>, %arg9: memref<8192x3xf32, #tpu.memory_space<vmem>>, %arg10: memref<!tpu.dma_semaphore, #tpu.memory_space<semaphore_mem>>, %arg11: memref<!tpu.dma_semaphore, #tpu.memory_space<semaphore_mem>>) attributes {dimension_semantics = [#tpu.dimension_semantics<core_parallel>, #tpu.dimension_semantics<subcore_parallel>], iteration_bounds = array<i64: 2, 16>, scalar_prefetch = 0 : i64, scratch_operands = 6 : i64, tpu.core_type = #tpu.core_type<sc_vector_subcore>, window_params = [{transform_indices = #map}, {transform_indices = #map}, {transform_indices = #map1}, {transform_indices = #map1}]} {
    %mul3A = arith.constant 2 : i32
    %mul3A_0 = arith.muli %arg1, %mul3A : i32
    %add3A = arith.addi %mul3A_0, %arg0 : i32
    %iota3A = tpu.iota {dimensions = array<i32: 0>} : vector<16xi32>
    %mul3A_1 = arith.constant 32768 : i32
    %mul3A_2 = arith.muli %add3A, %mul3A_1 : i32
    %add3A_3 = arith.constant 0 : i32
    %add3A_4 = arith.addi %mul3A_2, %add3A_3 : i32
    %mul3A_5 = arith.constant 3 : i32
    %mul3A_6 = arith.muli %mul3A_5, %add3A_4 : i32
    "tpu.region"() ({
      %run_scoped3A = tpu.sem_alloc : memref<!tpu.dma_semaphore, #tpu.memory_space<semaphore_mem>>
      %dma_start3A_102 = tpu.memref_slice %arg2[%mul3A_6] : memref<3145728xf32, #tpu.memory_space<hbm>> -> memref<24576xf32, #tpu.memory_space<hbm>>
      %dma_start3A_103 = tpu.memref_slice %arg2[%mul3A_6] : memref<3145728xf32, #tpu.memory_space<hbm>> -> memref<24576xf32, #tpu.memory_space<hbm>>
      tpu.enqueue_dma source(%dma_start3A_103 : memref<24576xf32, #tpu.memory_space<hbm>>) target(%arg6 : memref<24576xf32, #tpu.memory_space<vmem>>) target_semaphore(%run_scoped3A : memref<!tpu.dma_semaphore, #tpu.memory_space<semaphore_mem>>)
      %dma_wait3A_104 = tpu.memref_slice %arg2[%mul3A_6] : memref<3145728xf32, #tpu.memory_space<hbm>> -> memref<24576xf32, #tpu.memory_space<hbm>>
      %dma_wait3A_105 = tpu.memref_slice %arg2[%mul3A_6] : memref<3145728xf32, #tpu.memory_space<hbm>> -> memref<24576xf32, #tpu.memory_space<hbm>>
      tpu.wait_dma2 semaphore(%run_scoped3A : memref<!tpu.dma_semaphore, #tpu.memory_space<semaphore_mem>>) src(%dma_wait3A_105 : memref<24576xf32, #tpu.memory_space<hbm>>) dst(%arg6 : memref<24576xf32, #tpu.memory_space<vmem>>)
      tpu.yield
    }) : () -> ()
    %scan3A = arith.constant 1.280000e+02 : f32
    %scan3A_7 = arith.constant 0 : i32
    %scan3A_8 = arith.constant 127 : i32
    %scan3A_9 = arith.constant 0 : i32
    %scan3A_10 = arith.constant 0 : i32
    %scan3A_11 = arith.constant 512 : i32
    %scan3A_12 = arith.addi %scan3A_10, %scan3A_11 : i32
    %scan3A_13 = arith.constant 4 : i32
    %scan3A_14 = scf.for %scan3A_102 = %scan3A_10 to %scan3A_12 step %scan3A_13 iter_args(%scan3A_103 = %scan3A_9) -> (i32)  : i32 {
      %mul3A_104 = arith.constant 16 : i32
      %mul3A_105 = arith.muli %scan3A_102, %mul3A_104 : i32
      %multiple_of3A = tpu.assume_multiple %mul3A_105, 16 : i32
      %mul3A_106 = arith.constant 3 : i32
      %mul3A_107 = arith.muli %multiple_of3A, %mul3A_106 : i32
      %mul3A_108 = arith.constant 3 : i32
      %mul3A_109 = vector.broadcast %mul3A_108 : i32 to vector<16xi32>
      %mul3A_110 = arith.muli %iota3A, %mul3A_109 : vector<16xi32>
      %add3A_111 = vector.broadcast %mul3A_107 : i32 to vector<16xi32>
      %add3A_112 = arith.addi %add3A_111, %mul3A_110 : vector<16xi32>
      %gather3A = tpu.vector_load_idx %arg6[%add3A_112] : memref<24576xf32, #tpu.memory_space<vmem>>[vector<16xi32>], vector<16xf32>,
      %add3A_113 = arith.constant 1 : i32
      %add3A_114 = vector.broadcast %add3A_113 : i32 to vector<16xi32>
      %add3A_115 = arith.addi %add3A_112, %add3A_114 : vector<16xi32>
      %gather3A_116 = tpu.vector_load_idx %arg6[%add3A_115] : memref<24576xf32, #tpu.memory_space<vmem>>[vector<16xi32>], vector<16xf32>,
      %add3A_117 = arith.constant 2 : i32
      %add3A_118 = vector.broadcast %add3A_117 : i32 to vector<16xi32>
      %add3A_119 = arith.addi %add3A_112, %add3A_118 : vector<16xi32>
      %gather3A_120 = tpu.vector_load_idx %arg6[%add3A_119] : memref<24576xf32, #tpu.memory_space<vmem>>[vector<16xi32>], vector<16xf32>,
      %mul3A_121 = vector.broadcast %scan3A : f32 to vector<16xf32>
      %mul3A_122 = arith.mulf %gather3A, %mul3A_121 : vector<16xf32>
      %convert_element_type3A = arith.fptosi %mul3A_122 : vector<16xf32> to vector<16xi32>
      %max3A = vector.broadcast %scan3A_7 : i32 to vector<16xi32>
      %max3A_123 = arith.maxsi %max3A, %convert_element_type3A : vector<16xi32>
      %min3A = vector.broadcast %scan3A_8 : i32 to vector<16xi32>
      %min3A_124 = arith.minsi %min3A, %max3A_123 : vector<16xi32>
      %mul3A_125 = vector.broadcast %scan3A : f32 to vector<16xf32>
      %mul3A_126 = arith.mulf %gather3A_116, %mul3A_125 : vector<16xf32>
      %convert_element_type3A_127 = arith.fptosi %mul3A_126 : vector<16xf32> to vector<16xi32>
      %max3A_128 = vector.broadcast %scan3A_7 : i32 to vector<16xi32>
      %max3A_129 = arith.maxsi %max3A_128, %convert_element_type3A_127 : vector<16xi32>
      %min3A_130 = vector.broadcast %scan3A_8 : i32 to vector<16xi32>
      %min3A_131 = arith.minsi %min3A_130, %max3A_129 : vector<16xi32>
      %mul3A_132 = vector.broadcast %scan3A : f32 to vector<16xf32>
      %mul3A_133 = arith.mulf %gather3A_120, %mul3A_132 : vector<16xf32>
      %convert_element_type3A_134 = arith.fptosi %mul3A_133 : vector<16xf32> to vector<16xi32>
      %max3A_135 = vector.broadcast %scan3A_7 : i32 to vector<16xi32>
      %max3A_136 = arith.maxsi %max3A_135, %convert_element_type3A_134 : vector<16xi32>
      %min3A_137 = vector.broadcast %scan3A_8 : i32 to vector<16xi32>
      %min3A_138 = arith.minsi %min3A_137, %max3A_136 : vector<16xi32>
      %mul3A_139 = arith.constant 128 : i32
      %mul3A_140 = vector.broadcast %mul3A_139 : i32 to vector<16xi32>
      %mul3A_141 = arith.muli %min3A_138, %mul3A_140 : vector<16xi32>
      %add3A_142 = arith.addi %mul3A_141, %min3A_131 : vector<16xi32>
      %mul3A_143 = arith.constant 128 : i32
      %mul3A_144 = vector.broadcast %mul3A_143 : i32 to vector<16xi32>
      %mul3A_145 = arith.muli %add3A_142, %mul3A_144 : vector<16xi32>
      %add3A_146 = arith.addi %mul3A_145, %min3A_124 : vector<16xi32>
      %swap3A = arith.index_cast %multiple_of3A : i32 to index
      %swap3A_147 = tpu.vector_load %arg7[%swap3A] {strides = array<i32>} : memref<8192xi32, #tpu.memory_space<vmem>>, vector<16xi32>,
      tpu.vector_store %arg7[%swap3A], %add3A_146 {strides = array<i32>} : memref<8192xi32, #tpu.memory_space<vmem>>, vector<16xi32>,
      %scan3A_148 = arith.constant 0 : i32
      %scan3A_149 = arith.constant 1 : i32
      %scan3A_150 = arith.addi %scan3A_102, %scan3A_149 : i32
      %mul3A_151 = arith.constant 16 : i32
      %mul3A_152 = arith.muli %scan3A_150, %mul3A_151 : i32
      %multiple_of3A_153 = tpu.assume_multiple %mul3A_152, 16 : i32
      %mul3A_154 = arith.constant 3 : i32
      %mul3A_155 = arith.muli %multiple_of3A_153, %mul3A_154 : i32
      %mul3A_156 = arith.constant 3 : i32
      %mul3A_157 = vector.broadcast %mul3A_156 : i32 to vector<16xi32>
      %mul3A_158 = arith.muli %iota3A, %mul3A_157 : vector<16xi32>
      %add3A_159 = vector.broadcast %mul3A_155 : i32 to vector<16xi32>
      %add3A_160 = arith.addi %add3A_159, %mul3A_158 : vector<16xi32>
      %gather3A_161 = tpu.vector_load_idx %arg6[%add3A_160] : memref<24576xf32, #tpu.memory_space<vmem>>[vector<16xi32>], vector<16xf32>,
      %add3A_162 = arith.constant 1 : i32
      %add3A_163 = vector.broadcast %add3A_162 : i32 to vector<16xi32>
      %add3A_164 = arith.addi %add3A_160, %add3A_163 : vector<16xi32>
      %gather3A_165 = tpu.vector_load_idx %arg6[%add3A_164] : memref<24576xf32, #tpu.memory_space<vmem>>[vector<16xi32>], vector<16xf32>,
      %add3A_166 = arith.constant 2 : i32
      %add3A_167 = vector.broadcast %add3A_166 : i32 to vector<16xi32>
      %add3A_168 = arith.addi %add3A_160, %add3A_167 : vector<16xi32>
      %gather3A_169 = tpu.vector_load_idx %arg6[%add3A_168] : memref<24576xf32, #tpu.memory_space<vmem>>[vector<16xi32>], vector<16xf32>,
      %mul3A_170 = vector.broadcast %scan3A : f32 to vector<16xf32>
      %mul3A_171 = arith.mulf %gather3A_161, %mul3A_170 : vector<16xf32>
      %convert_element_type3A_172 = arith.fptosi %mul3A_171 : vector<16xf32> to vector<16xi32>
      %max3A_173 = vector.broadcast %scan3A_7 : i32 to vector<16xi32>
      %max3A_174 = arith.maxsi %max3A_173, %convert_element_type3A_172 : vector<16xi32>
      %min3A_175 = vector.broadcast %scan3A_8 : i32 to vector<16xi32>
      %min3A_176 = arith.minsi %min3A_175, %max3A_174 : vector<16xi32>
      %mul3A_177 = vector.broadcast %scan3A : f32 to vector<16xf32>
      %mul3A_178 = arith.mulf %gather3A_165, %mul3A_177 : vector<16xf32>
      %convert_element_type3A_179 = arith.fptosi %mul3A_178 : vector<16xf32> to vector<16xi32>
      %max3A_180 = vector.broadcast %scan3A_7 : i32 to vector<16xi32>
      %max3A_181 = arith.maxsi %max3A_180, %convert_element_type3A_179 : vector<16xi32>
      %min3A_182 = vector.broadcast %scan3A_8 : i32 to vector<16xi32>
      %min3A_183 = arith.minsi %min3A_182, %max3A_181 : vector<16xi32>
      %mul3A_184 = vector.broadcast %scan3A : f32 to vector<16xf32>
      %mul3A_185 = arith.mulf %gather3A_169, %mul3A_184 : vector<16xf32>
      %convert_element_type3A_186 = arith.fptosi %mul3A_185 : vector<16xf32> to vector<16xi32>
      %max3A_187 = vector.broadcast %scan3A_7 : i32 to vector<16xi32>
      %max3A_188 = arith.maxsi %max3A_187, %convert_element_type3A_186 : vector<16xi32>
      %min3A_189 = vector.broadcast %scan3A_8 : i32 to vector<16xi32>
      %min3A_190 = arith.minsi %min3A_189, %max3A_188 : vector<16xi32>
      %mul3A_191 = arith.constant 128 : i32
      %mul3A_192 = vector.broadcast %mul3A_191 : i32 to vector<16xi32>
      %mul3A_193 = arith.muli %min3A_190, %mul3A_192 : vector<16xi32>
      %add3A_194 = arith.addi %mul3A_193, %min3A_183 : vector<16xi32>
      %mul3A_195 = arith.constant 128 : i32
      %mul3A_196 = vector.broadcast %mul3A_195 : i32 to vector<16xi32>
      %mul3A_197 = arith.muli %add3A_194, %mul3A_196 : vector<16xi32>
      %add3A_198 = arith.addi %mul3A_197, %min3A_176 : vector<16xi32>
      %swap3A_199 = arith.index_cast %multiple_of3A_153 : i32 to index
      %swap3A_200 = tpu.vector_load %arg7[%swap3A_199] {strides = array<i32>} : memref<8192xi32, #tpu.memory_space<vmem>>, vector<16xi32>,
      tpu.vector_store %arg7[%swap3A_199], %add3A_198 {strides = array<i32>} : memref<8192xi32, #tpu.memory_space<vmem>>, vector<16xi32>,
      %scan3A_201 = arith.constant 0 : i32
      %scan3A_202 = arith.constant 2 : i32
      %scan3A_203 = arith.addi %scan3A_102, %scan3A_202 : i32
      %mul3A_204 = arith.constant 16 : i32
      %mul3A_205 = arith.muli %scan3A_203, %mul3A_204 : i32
      %multiple_of3A_206 = tpu.assume_multiple %mul3A_205, 16 : i32
      %mul3A_207 = arith.constant 3 : i32
      %mul3A_208 = arith.muli %multiple_of3A_206, %mul3A_207 : i32
      %mul3A_209 = arith.constant 3 : i32
      %mul3A_210 = vector.broadcast %mul3A_209 : i32 to vector<16xi32>
      %mul3A_211 = arith.muli %iota3A, %mul3A_210 : vector<16xi32>
      %add3A_212 = vector.broadcast %mul3A_208 : i32 to vector<16xi32>
      %add3A_213 = arith.addi %add3A_212, %mul3A_211 : vector<16xi32>
      %gather3A_214 = tpu.vector_load_idx %arg6[%add3A_213] : memref<24576xf32, #tpu.memory_space<vmem>>[vector<16xi32>], vector<16xf32>,
      %add3A_215 = arith.constant 1 : i32
      %add3A_216 = vector.broadcast %add3A_215 : i32 to vector<16xi32>
      %add3A_217 = arith.addi %add3A_213, %add3A_216 : vector<16xi32>
      %gather3A_218 = tpu.vector_load_idx %arg6[%add3A_217] : memref<24576xf32, #tpu.memory_space<vmem>>[vector<16xi32>], vector<16xf32>,
      %add3A_219 = arith.constant 2 : i32
      %add3A_220 = vector.broadcast %add3A_219 : i32 to vector<16xi32>
      %add3A_221 = arith.addi %add3A_213, %add3A_220 : vector<16xi32>
      %gather3A_222 = tpu.vector_load_idx %arg6[%add3A_221] : memref<24576xf32, #tpu.memory_space<vmem>>[vector<16xi32>], vector<16xf32>,
      %mul3A_223 = vector.broadcast %scan3A : f32 to vector<16xf32>
      %mul3A_224 = arith.mulf %gather3A_214, %mul3A_223 : vector<16xf32>
      %convert_element_type3A_225 = arith.fptosi %mul3A_224 : vector<16xf32> to vector<16xi32>
      %max3A_226 = vector.broadcast %scan3A_7 : i32 to vector<16xi32>
      %max3A_227 = arith.maxsi %max3A_226, %convert_element_type3A_225 : vector<16xi32>
      %min3A_228 = vector.broadcast %scan3A_8 : i32 to vector<16xi32>
      %min3A_229 = arith.minsi %min3A_228, %max3A_227 : vector<16xi32>
      %mul3A_230 = vector.broadcast %scan3A : f32 to vector<16xf32>
      %mul3A_231 = arith.mulf %gather3A_218, %mul3A_230 : vector<16xf32>
      %convert_element_type3A_232 = arith.fptosi %mul3A_231 : vector<16xf32> to vector<16xi32>
      %max3A_233 = vector.broadcast %scan3A_7 : i32 to vector<16xi32>
      %max3A_234 = arith.maxsi %max3A_233, %convert_element_type3A_232 : vector<16xi32>
      %min3A_235 = vector.broadcast %scan3A_8 : i32 to vector<16xi32>
      %min3A_236 = arith.minsi %min3A_235, %max3A_234 : vector<16xi32>
      %mul3A_237 = vector.broadcast %scan3A : f32 to vector<16xf32>
      %mul3A_238 = arith.mulf %gather3A_222, %mul3A_237 : vector<16xf32>
      %convert_element_type3A_239 = arith.fptosi %mul3A_238 : vector<16xf32> to vector<16xi32>
      %max3A_240 = vector.broadcast %scan3A_7 : i32 to vector<16xi32>
      %max3A_241 = arith.maxsi %max3A_240, %convert_element_type3A_239 : vector<16xi32>
      %min3A_242 = vector.broadcast %scan3A_8 : i32 to vector<16xi32>
      %min3A_243 = arith.minsi %min3A_242, %max3A_241 : vector<16xi32>
      %mul3A_244 = arith.constant 128 : i32
      %mul3A_245 = vector.broadcast %mul3A_244 : i32 to vector<16xi32>
      %mul3A_246 = arith.muli %min3A_243, %mul3A_245 : vector<16xi32>
      %add3A_247 = arith.addi %mul3A_246, %min3A_236 : vector<16xi32>
      %mul3A_248 = arith.constant 128 : i32
      %mul3A_249 = vector.broadcast %mul3A_248 : i32 to vector<16xi32>
      %mul3A_250 = arith.muli %add3A_247, %mul3A_249 : vector<16xi32>
      %add3A_251 = arith.addi %mul3A_250, %min3A_229 : vector<16xi32>
      %swap3A_252 = arith.index_cast %multiple_of3A_206 : i32 to index
      %swap3A_253 = tpu.vector_load %arg7[%swap3A_252] {strides = array<i32>} : memref<8192xi32, #tpu.memory_space<vmem>>, vector<16xi32>,
      tpu.vector_store %arg7[%swap3A_252], %add3A_251 {strides = array<i32>} : memref<8192xi32, #tpu.memory_space<vmem>>, vector<16xi32>,
      %scan3A_254 = arith.constant 0 : i32
      %scan3A_255 = arith.constant 3 : i32
      %scan3A_256 = arith.addi %scan3A_102, %scan3A_255 : i32
      %mul3A_257 = arith.constant 16 : i32
      %mul3A_258 = arith.muli %scan3A_256, %mul3A_257 : i32
      %multiple_of3A_259 = tpu.assume_multiple %mul3A_258, 16 : i32
      %mul3A_260 = arith.constant 3 : i32
      %mul3A_261 = arith.muli %multiple_of3A_259, %mul3A_260 : i32
      %mul3A_262 = arith.constant 3 : i32
      %mul3A_263 = vector.broadcast %mul3A_262 : i32 to vector<16xi32>
      %mul3A_264 = arith.muli %iota3A, %mul3A_263 : vector<16xi32>
      %add3A_265 = vector.broadcast %mul3A_261 : i32 to vector<16xi32>
      %add3A_266 = arith.addi %add3A_265, %mul3A_264 : vector<16xi32>
      %gather3A_267 = tpu.vector_load_idx %arg6[%add3A_266] : memref<24576xf32, #tpu.memory_space<vmem>>[vector<16xi32>], vector<16xf32>,
      %add3A_268 = arith.constant 1 : i32
      %add3A_269 = vector.broadcast %add3A_268 : i32 to vector<16xi32>
      %add3A_270 = arith.addi %add3A_266, %add3A_269 : vector<16xi32>
      %gather3A_271 = tpu.vector_load_idx %arg6[%add3A_270] : memref<24576xf32, #tpu.memory_space<vmem>>[vector<16xi32>], vector<16xf32>,
      %add3A_272 = arith.constant 2 : i32
      %add3A_273 = vector.broadcast %add3A_272 : i32 to vector<16xi32>
      %add3A_274 = arith.addi %add3A_266, %add3A_273 : vector<16xi32>
      %gather3A_275 = tpu.vector_load_idx %arg6[%add3A_274] : memref<24576xf32, #tpu.memory_space<vmem>>[vector<16xi32>], vector<16xf32>,
      %mul3A_276 = vector.broadcast %scan3A : f32 to vector<16xf32>
      %mul3A_277 = arith.mulf %gather3A_267, %mul3A_276 : vector<16xf32>
      %convert_element_type3A_278 = arith.fptosi %mul3A_277 : vector<16xf32> to vector<16xi32>
      %max3A_279 = vector.broadcast %scan3A_7 : i32 to vector<16xi32>
      %max3A_280 = arith.maxsi %max3A_279, %convert_element_type3A_278 : vector<16xi32>
      %min3A_281 = vector.broadcast %scan3A_8 : i32 to vector<16xi32>
      %min3A_282 = arith.minsi %min3A_281, %max3A_280 : vector<16xi32>
      %mul3A_283 = vector.broadcast %scan3A : f32 to vector<16xf32>
      %mul3A_284 = arith.mulf %gather3A_271, %mul3A_283 : vector<16xf32>
      %convert_element_type3A_285 = arith.fptosi %mul3A_284 : vector<16xf32> to vector<16xi32>
      %max3A_286 = vector.broadcast %scan3A_7 : i32 to vector<16xi32>
      %max3A_287 = arith.maxsi %max3A_286, %convert_element_type3A_285 : vector<16xi32>
      %min3A_288 = vector.broadcast %scan3A_8 : i32 to vector<16xi32>
      %min3A_289 = arith.minsi %min3A_288, %max3A_287 : vector<16xi32>
      %mul3A_290 = vector.broadcast %scan3A : f32 to vector<16xf32>
      %mul3A_291 = arith.mulf %gather3A_275, %mul3A_290 : vector<16xf32>
      %convert_element_type3A_292 = arith.fptosi %mul3A_291 : vector<16xf32> to vector<16xi32>
      %max3A_293 = vector.broadcast %scan3A_7 : i32 to vector<16xi32>
      %max3A_294 = arith.maxsi %max3A_293, %convert_element_type3A_292 : vector<16xi32>
      %min3A_295 = vector.broadcast %scan3A_8 : i32 to vector<16xi32>
      %min3A_296 = arith.minsi %min3A_295, %max3A_294 : vector<16xi32>
      %mul3A_297 = arith.constant 128 : i32
      %mul3A_298 = vector.broadcast %mul3A_297 : i32 to vector<16xi32>
      %mul3A_299 = arith.muli %min3A_296, %mul3A_298 : vector<16xi32>
      %add3A_300 = arith.addi %mul3A_299, %min3A_289 : vector<16xi32>
      %mul3A_301 = arith.constant 128 : i32
      %mul3A_302 = vector.broadcast %mul3A_301 : i32 to vector<16xi32>
      %mul3A_303 = arith.muli %add3A_300, %mul3A_302 : vector<16xi32>
      %add3A_304 = arith.addi %mul3A_303, %min3A_282 : vector<16xi32>
      %swap3A_305 = arith.index_cast %multiple_of3A_259 : i32 to index
      %swap3A_306 = tpu.vector_load %arg7[%swap3A_305] {strides = array<i32>} : memref<8192xi32, #tpu.memory_space<vmem>>, vector<16xi32>,
      tpu.vector_store %arg7[%swap3A_305], %add3A_304 {strides = array<i32>} : memref<8192xi32, #tpu.memory_space<vmem>>, vector<16xi32>,
      %scan3A_307 = arith.constant 0 : i32
      scf.yield %scan3A_307 : i32
    }
    %scan3A_15 = arith.constant 512 : i32
    %dma_start3A = arith.constant 0 : i32
    %dma_start3A_16 = tpu.memref_slice %arg3[%dma_start3A] : memref<2097152xi32, #tpu.memory_space<hbm>> -> memref<2097152xi32, #tpu.memory_space<hbm>>
    tpu.enqueue_indirect_dma source(%dma_start3A_16 : memref<2097152xi32, #tpu.memory_space<hbm>>) target(%arg8 : memref<8192xi32, #tpu.memory_space<vmem>>) offsets(%arg7 : memref<8192xi32, #tpu.memory_space<vmem>>) semaphore(%arg10 : memref<!tpu.dma_semaphore, #tpu.memory_space<semaphore_mem>>)
    %dma_wait3A = arith.constant 0 : i32
    %dma_wait3A_17 = tpu.memref_slice %arg3[%dma_wait3A] : memref<2097152xi32, #tpu.memory_space<hbm>> -> memref<2097152xi32, #tpu.memory_space<hbm>>
    tpu.wait_indirect_dma semaphore(%arg10 : memref<!tpu.dma_semaphore, #tpu.memory_space<semaphore_mem>>) src(%dma_wait3A_17 : memref<2097152xi32, #tpu.memory_space<hbm>>) dst(%arg8 : memref<8192xi32, #tpu.memory_space<vmem>>)
    %dma_start3A_18 = arith.constant 0 : i32
    %dma_start3A_19 = arith.constant 0 : i32
    %dma_start3A_20 = tpu.memref_slice %arg4[%dma_start3A_18, %dma_start3A_19] : memref<629791x3xf32, #tpu.memory_space<hbm>> -> memref<629791x3xf32, #tpu.memory_space<hbm>>
    tpu.enqueue_indirect_dma source(%dma_start3A_20 : memref<629791x3xf32, #tpu.memory_space<hbm>>) target(%arg9 : memref<8192x3xf32, #tpu.memory_space<vmem>>) offsets(%arg8 : memref<8192xi32, #tpu.memory_space<vmem>>) semaphore(%arg11 : memref<!tpu.dma_semaphore, #tpu.memory_space<semaphore_mem>>)
    %dma_wait3A_21 = arith.constant 0 : i32
    %dma_wait3A_22 = arith.constant 0 : i32
    %dma_wait3A_23 = tpu.memref_slice %arg4[%dma_wait3A_21, %dma_wait3A_22] : memref<629791x3xf32, #tpu.memory_space<hbm>> -> memref<629791x3xf32, #tpu.memory_space<hbm>>
    tpu.wait_indirect_dma semaphore(%arg11 : memref<!tpu.dma_semaphore, #tpu.memory_space<semaphore_mem>>) src(%dma_wait3A_23 : memref<629791x3xf32, #tpu.memory_space<hbm>>) dst(%arg9 : memref<8192x3xf32, #tpu.memory_space<vmem>>)
    "tpu.region"() ({
      %run_scoped3A = tpu.sem_alloc : memref<!tpu.dma_semaphore, #tpu.memory_space<semaphore_mem>>
      %dma_start3A_102 = arith.constant 0 : i32
      %dma_start3A_103 = tpu.memref_slice %arg5[%add3A_4, %dma_start3A_102] : memref<1048576x3xf32, #tpu.memory_space<hbm>> -> memref<8192x3xf32, #tpu.memory_space<hbm>>
      %dma_start3A_104 = arith.constant 0 : i32
      %dma_start3A_105 = tpu.memref_slice %arg5[%add3A_4, %dma_start3A_104] : memref<1048576x3xf32, #tpu.memory_space<hbm>> -> memref<8192x3xf32, #tpu.memory_space<hbm>>
      tpu.enqueue_dma source(%arg9 : memref<8192x3xf32, #tpu.memory_space<vmem>>) target(%dma_start3A_105 : memref<8192x3xf32, #tpu.memory_space<hbm>>) target_semaphore(%run_scoped3A : memref<!tpu.dma_semaphore, #tpu.memory_space<semaphore_mem>>)
      %dma_wait3A_106 = arith.constant 0 : i32
      %dma_wait3A_107 = tpu.memref_slice %arg5[%add3A_4, %dma_wait3A_106] : memref<1048576x3xf32, #tpu.memory_space<hbm>> -> memref<8192x3xf32, #tpu.memory_space<hbm>>
      %dma_wait3A_108 = arith.constant 0 : i32
      %dma_wait3A_109 = tpu.memref_slice %arg5[%add3A_4, %dma_wait3A_108] : memref<1048576x3xf32, #tpu.memory_space<hbm>> -> memref<8192x3xf32, #tpu.memory_space<hbm>>
      tpu.wait_dma2 semaphore(%run_scoped3A : memref<!tpu.dma_semaphore, #tpu.memory_space<semaphore_mem>>) src(%arg9 : memref<8192x3xf32, #tpu.memory_space<vmem>>) dst(%dma_wait3A_109 : memref<8192x3xf32, #tpu.memory_space<hbm>>)
      tpu.yield
    }) : () -> ()
    %mul3A_24 = arith.constant 32768 : i32
    %mul3A_25 = arith.muli %add3A, %mul3A_24 : i32
    %add3A_26 = arith.constant 8192 : i32
    %add3A_27 = arith.addi %mul3A_25, %add3A_26 : i32
    %mul3A_28 = arith.constant 3 : i32
    %mul3A_29 = arith.muli %mul3A_28, %add3A_27 : i32
    "tpu.region"() ({
      %run_scoped3A = tpu.sem_alloc : memref<!tpu.dma_semaphore, #tpu.memory_space<semaphore_mem>>
      %dma_start3A_102 = tpu.memref_slice %arg2[%mul3A_29] : memref<3145728xf32, #tpu.memory_space<hbm>> -> memref<24576xf32, #tpu.memory_space<hbm>>
      %dma_start3A_103 = tpu.memref_slice %arg2[%mul3A_29] : memref<3145728xf32, #tpu.memory_space<hbm>> -> memref<24576xf32, #tpu.memory_space<hbm>>
      tpu.enqueue_dma source(%dma_start3A_103 : memref<24576xf32, #tpu.memory_space<hbm>>) target(%arg6 : memref<24576xf32, #tpu.memory_space<vmem>>) target_semaphore(%run_scoped3A : memref<!tpu.dma_semaphore, #tpu.memory_space<semaphore_mem>>)
      %dma_wait3A_104 = tpu.memref_slice %arg2[%mul3A_29] : memref<3145728xf32, #tpu.memory_space<hbm>> -> memref<24576xf32, #tpu.memory_space<hbm>>
      %dma_wait3A_105 = tpu.memref_slice %arg2[%mul3A_29] : memref<3145728xf32, #tpu.memory_space<hbm>> -> memref<24576xf32, #tpu.memory_space<hbm>>
      tpu.wait_dma2 semaphore(%run_scoped3A : memref<!tpu.dma_semaphore, #tpu.memory_space<semaphore_mem>>) src(%dma_wait3A_105 : memref<24576xf32, #tpu.memory_space<hbm>>) dst(%arg6 : memref<24576xf32, #tpu.memory_space<vmem>>)
      tpu.yield
    }) : () -> ()
    %scan3A_30 = arith.constant 1.280000e+02 : f32
    %scan3A_31 = arith.constant 0 : i32
    %scan3A_32 = arith.constant 127 : i32
    %scan3A_33 = arith.constant 0 : i32
    %scan3A_34 = arith.constant 0 : i32
    %scan3A_35 = arith.constant 512 : i32
    %scan3A_36 = arith.addi %scan3A_34, %scan3A_35 : i32
    %scan3A_37 = arith.constant 4 : i32
    %scan3A_38 = scf.for %scan3A_102 = %scan3A_34 to %scan3A_36 step %scan3A_37 iter_args(%scan3A_103 = %scan3A_33) -> (i32)  : i32 {
      %mul3A_104 = arith.constant 16 : i32
      %mul3A_105 = arith.muli %scan3A_102, %mul3A_104 : i32
      %multiple_of3A = tpu.assume_multiple %mul3A_105, 16 : i32
      %mul3A_106 = arith.constant 3 : i32
      %mul3A_107 = arith.muli %multiple_of3A, %mul3A_106 : i32
      %mul3A_108 = arith.constant 3 : i32
      %mul3A_109 = vector.broadcast %mul3A_108 : i32 to vector<16xi32>
      %mul3A_110 = arith.muli %iota3A, %mul3A_109 : vector<16xi32>
      %add3A_111 = vector.broadcast %mul3A_107 : i32 to vector<16xi32>
      %add3A_112 = arith.addi %add3A_111, %mul3A_110 : vector<16xi32>
      %gather3A = tpu.vector_load_idx %arg6[%add3A_112] : memref<24576xf32, #tpu.memory_space<vmem>>[vector<16xi32>], vector<16xf32>,
      %add3A_113 = arith.constant 1 : i32
      %add3A_114 = vector.broadcast %add3A_113 : i32 to vector<16xi32>
      %add3A_115 = arith.addi %add3A_112, %add3A_114 : vector<16xi32>
      %gather3A_116 = tpu.vector_load_idx %arg6[%add3A_115] : memref<24576xf32, #tpu.memory_space<vmem>>[vector<16xi32>], vector<16xf32>,
      %add3A_117 = arith.constant 2 : i32
      %add3A_118 = vector.broadcast %add3A_117 : i32 to vector<16xi32>
      %add3A_119 = arith.addi %add3A_112, %add3A_118 : vector<16xi32>
      %gather3A_120 = tpu.vector_load_idx %arg6[%add3A_119] : memref<24576xf32, #tpu.memory_space<vmem>>[vector<16xi32>], vector<16xf32>,
      %mul3A_121 = vector.broadcast %scan3A_30 : f32 to vector<16xf32>
      %mul3A_122 = arith.mulf %gather3A, %mul3A_121 : vector<16xf32>
      %convert_element_type3A = arith.fptosi %mul3A_122 : vector<16xf32> to vector<16xi32>
      %max3A = vector.broadcast %scan3A_31 : i32 to vector<16xi32>
      %max3A_123 = arith.maxsi %max3A, %convert_element_type3A : vector<16xi32>
      %min3A = vector.broadcast %scan3A_32 : i32 to vector<16xi32>
      %min3A_124 = arith.minsi %min3A, %max3A_123 : vector<16xi32>
      %mul3A_125 = vector.broadcast %scan3A_30 : f32 to vector<16xf32>
      %mul3A_126 = arith.mulf %gather3A_116, %mul3A_125 : vector<16xf32>
      %convert_element_type3A_127 = arith.fptosi %mul3A_126 : vector<16xf32> to vector<16xi32>
      %max3A_128 = vector.broadcast %scan3A_31 : i32 to vector<16xi32>
      %max3A_129 = arith.maxsi %max3A_128, %convert_element_type3A_127 : vector<16xi32>
      %min3A_130 = vector.broadcast %scan3A_32 : i32 to vector<16xi32>
      %min3A_131 = arith.minsi %min3A_130, %max3A_129 : vector<16xi32>
      %mul3A_132 = vector.broadcast %scan3A_30 : f32 to vector<16xf32>
      %mul3A_133 = arith.mulf %gather3A_120, %mul3A_132 : vector<16xf32>
      %convert_element_type3A_134 = arith.fptosi %mul3A_133 : vector<16xf32> to vector<16xi32>
      %max3A_135 = vector.broadcast %scan3A_31 : i32 to vector<16xi32>
      %max3A_136 = arith.maxsi %max3A_135, %convert_element_type3A_134 : vector<16xi32>
      %min3A_137 = vector.broadcast %scan3A_32 : i32 to vector<16xi32>
      %min3A_138 = arith.minsi %min3A_137, %max3A_136 : vector<16xi32>
      %mul3A_139 = arith.constant 128 : i32
      %mul3A_140 = vector.broadcast %mul3A_139 : i32 to vector<16xi32>
      %mul3A_141 = arith.muli %min3A_138, %mul3A_140 : vector<16xi32>
      %add3A_142 = arith.addi %mul3A_141, %min3A_131 : vector<16xi32>
      %mul3A_143 = arith.constant 128 : i32
      %mul3A_144 = vector.broadcast %mul3A_143 : i32 to vector<16xi32>
      %mul3A_145 = arith.muli %add3A_142, %mul3A_144 : vector<16xi32>
      %add3A_146 = arith.addi %mul3A_145, %min3A_124 : vector<16xi32>
      %swap3A = arith.index_cast %multiple_of3A : i32 to index
      %swap3A_147 = tpu.vector_load %arg7[%swap3A] {strides = array<i32>} : memref<8192xi32, #tpu.memory_space<vmem>>, vector<16xi32>,
      tpu.vector_store %arg7[%swap3A], %add3A_146 {strides = array<i32>} : memref<8192xi32, #tpu.memory_space<vmem>>, vector<16xi32>,
      %scan3A_148 = arith.constant 0 : i32
      %scan3A_149 = arith.constant 1 : i32
      %scan3A_150 = arith.addi %scan3A_102, %scan3A_149 : i32
      %mul3A_151 = arith.constant 16 : i32
      %mul3A_152 = arith.muli %scan3A_150, %mul3A_151 : i32
      %multiple_of3A_153 = tpu.assume_multiple %mul3A_152, 16 : i32
      %mul3A_154 = arith.constant 3 : i32
      %mul3A_155 = arith.muli %multiple_of3A_153, %mul3A_154 : i32
      %mul3A_156 = arith.constant 3 : i32
      %mul3A_157 = vector.broadcast %mul3A_156 : i32 to vector<16xi32>
      %mul3A_158 = arith.muli %iota3A, %mul3A_157 : vector<16xi32>
      %add3A_159 = vector.broadcast %mul3A_155 : i32 to vector<16xi32>
      %add3A_160 = arith.addi %add3A_159, %mul3A_158 : vector<16xi32>
      %gather3A_161 = tpu.vector_load_idx %arg6[%add3A_160] : memref<24576xf32, #tpu.memory_space<vmem>>[vector<16xi32>], vector<16xf32>,
      %add3A_162 = arith.constant 1 : i32
      %add3A_163 = vector.broadcast %add3A_162 : i32 to vector<16xi32>
      %add3A_164 = arith.addi %add3A_160, %add3A_163 : vector<16xi32>
      %gather3A_165 = tpu.vector_load_idx %arg6[%add3A_164] : memref<24576xf32, #tpu.memory_space<vmem>>[vector<16xi32>], vector<16xf32>,
      %add3A_166 = arith.constant 2 : i32
      %add3A_167 = vector.broadcast %add3A_166 : i32 to vector<16xi32>
      %add3A_168 = arith.addi %add3A_160, %add3A_167 : vector<16xi32>
      %gather3A_169 = tpu.vector_load_idx %arg6[%add3A_168] : memref<24576xf32, #tpu.memory_space<vmem>>[vector<16xi32>], vector<16xf32>,
      %mul3A_170 = vector.broadcast %scan3A_30 : f32 to vector<16xf32>
      %mul3A_171 = arith.mulf %gather3A_161, %mul3A_170 : vector<16xf32>
      %convert_element_type3A_172 = arith.fptosi %mul3A_171 : vector<16xf32> to vector<16xi32>
      %max3A_173 = vector.broadcast %scan3A_31 : i32 to vector<16xi32>
      %max3A_174 = arith.maxsi %max3A_173, %convert_element_type3A_172 : vector<16xi32>
      %min3A_175 = vector.broadcast %scan3A_32 : i32 to vector<16xi32>
      %min3A_176 = arith.minsi %min3A_175, %max3A_174 : vector<16xi32>
      %mul3A_177 = vector.broadcast %scan3A_30 : f32 to vector<16xf32>
      %mul3A_178 = arith.mulf %gather3A_165, %mul3A_177 : vector<16xf32>
      %convert_element_type3A_179 = arith.fptosi %mul3A_178 : vector<16xf32> to vector<16xi32>
      %max3A_180 = vector.broadcast %scan3A_31 : i32 to vector<16xi32>
      %max3A_181 = arith.maxsi %max3A_180, %convert_element_type3A_179 : vector<16xi32>
      %min3A_182 = vector.broadcast %scan3A_32 : i32 to vector<16xi32>
      %min3A_183 = arith.minsi %min3A_182, %max3A_181 : vector<16xi32>
      %mul3A_184 = vector.broadcast %scan3A_30 : f32 to vector<16xf32>
      %mul3A_185 = arith.mulf %gather3A_169, %mul3A_184 : vector<16xf32>
      %convert_element_type3A_186 = arith.fptosi %mul3A_185 : vector<16xf32> to vector<16xi32>
      %max3A_187 = vector.broadcast %scan3A_31 : i32 to vector<16xi32>
      %max3A_188 = arith.maxsi %max3A_187, %convert_element_type3A_186 : vector<16xi32>
      %min3A_189 = vector.broadcast %scan3A_32 : i32 to vector<16xi32>
      %min3A_190 = arith.minsi %min3A_189, %max3A_188 : vector<16xi32>
      %mul3A_191 = arith.constant 128 : i32
      %mul3A_192 = vector.broadcast %mul3A_191 : i32 to vector<16xi32>
      %mul3A_193 = arith.muli %min3A_190, %mul3A_192 : vector<16xi32>
      %add3A_194 = arith.addi %mul3A_193, %min3A_183 : vector<16xi32>
      %mul3A_195 = arith.constant 128 : i32
      %mul3A_196 = vector.broadcast %mul3A_195 : i32 to vector<16xi32>
      %mul3A_197 = arith.muli %add3A_194, %mul3A_196 : vector<16xi32>
      %add3A_198 = arith.addi %mul3A_197, %min3A_176 : vector<16xi32>
      %swap3A_199 = arith.index_cast %multiple_of3A_153 : i32 to index
      %swap3A_200 = tpu.vector_load %arg7[%swap3A_199] {strides = array<i32>} : memref<8192xi32, #tpu.memory_space<vmem>>, vector<16xi32>,
      tpu.vector_store %arg7[%swap3A_199], %add3A_198 {strides = array<i32>} : memref<8192xi32, #tpu.memory_space<vmem>>, vector<16xi32>,
      %scan3A_201 = arith.constant 0 : i32
      %scan3A_202 = arith.constant 2 : i32
      %scan3A_203 = arith.addi %scan3A_102, %scan3A_202 : i32
      %mul3A_204 = arith.constant 16 : i32
      %mul3A_205 = arith.muli %scan3A_203, %mul3A_204 : i32
      %multiple_of3A_206 = tpu.assume_multiple %mul3A_205, 16 : i32
      %mul3A_207 = arith.constant 3 : i32
      %mul3A_208 = arith.muli %multiple_of3A_206, %mul3A_207 : i32
      %mul3A_209 = arith.constant 3 : i32
      %mul3A_210 = vector.broadcast %mul3A_209 : i32 to vector<16xi32>
      %mul3A_211 = arith.muli %iota3A, %mul3A_210 : vector<16xi32>
      %add3A_212 = vector.broadcast %mul3A_208 : i32 to vector<16xi32>
      %add3A_213 = arith.addi %add3A_212, %mul3A_211 : vector<16xi32>
      %gather3A_214 = tpu.vector_load_idx %arg6[%add3A_213] : memref<24576xf32, #tpu.memory_space<vmem>>[vector<16xi32>], vector<16xf32>,
      %add3A_215 = arith.constant 1 : i32
      %add3A_216 = vector.broadcast %add3A_215 : i32 to vector<16xi32>
      %add3A_217 = arith.addi %add3A_213, %add3A_216 : vector<16xi32>
      %gather3A_218 = tpu.vector_load_idx %arg6[%add3A_217] : memref<24576xf32, #tpu.memory_space<vmem>>[vector<16xi32>], vector<16xf32>,
      %add3A_219 = arith.constant 2 : i32
      %add3A_220 = vector.broadcast %add3A_219 : i32 to vector<16xi32>
      %add3A_221 = arith.addi %add3A_213, %add3A_220 : vector<16xi32>
      %gather3A_222 = tpu.vector_load_idx %arg6[%add3A_221] : memref<24576xf32, #tpu.memory_space<vmem>>[vector<16xi32>], vector<16xf32>,
      %mul3A_223 = vector.broadcast %scan3A_30 : f32 to vector<16xf32>
      %mul3A_224 = arith.mulf %gather3A_214, %mul3A_223 : vector<16xf32>
      %convert_element_type3A_225 = arith.fptosi %mul3A_224 : vector<16xf32> to vector<16xi32>
      %max3A_226 = vector.broadcast %scan3A_31 : i32 to vector<16xi32>
      %max3A_227 = arith.maxsi %max3A_226, %convert_element_type3A_225 : vector<16xi32>
      %min3A_228 = vector.broadcast %scan3A_32 : i32 to vector<16xi32>
      %min3A_229 = arith.minsi %min3A_228, %max3A_227 : vector<16xi32>
      %mul3A_230 = vector.broadcast %scan3A_30 : f32 to vector<16xf32>
      %mul3A_231 = arith.mulf %gather3A_218, %mul3A_230 : vector<16xf32>
      %convert_element_type3A_232 = arith.fptosi %mul3A_231 : vector<16xf32> to vector<16xi32>
      %max3A_233 = vector.broadcast %scan3A_31 : i32 to vector<16xi32>
      %max3A_234 = arith.maxsi %max3A_233, %convert_element_type3A_232 : vector<16xi32>
      %min3A_235 = vector.broadcast %scan3A_32 : i32 to vector<16xi32>
      %min3A_236 = arith.minsi %min3A_235, %max3A_234 : vector<16xi32>
      %mul3A_237 = vector.broadcast %scan3A_30 : f32 to vector<16xf32>
      %mul3A_238 = arith.mulf %gather3A_222, %mul3A_237 : vector<16xf32>
      %convert_element_type3A_239 = arith.fptosi %mul3A_238 : vector<16xf32> to vector<16xi32>
      %max3A_240 = vector.broadcast %scan3A_31 : i32 to vector<16xi32>
      %max3A_241 = arith.maxsi %max3A_240, %convert_element_type3A_239 : vector<16xi32>
      %min3A_242 = vector.broadcast %scan3A_32 : i32 to vector<16xi32>
      %min3A_243 = arith.minsi %min3A_242, %max3A_241 : vector<16xi32>
      %mul3A_244 = arith.constant 128 : i32
      %mul3A_245 = vector.broadcast %mul3A_244 : i32 to vector<16xi32>
      %mul3A_246 = arith.muli %min3A_243, %mul3A_245 : vector<16xi32>
      %add3A_247 = arith.addi %mul3A_246, %min3A_236 : vector<16xi32>
      %mul3A_248 = arith.constant 128 : i32
      %mul3A_249 = vector.broadcast %mul3A_248 : i32 to vector<16xi32>
      %mul3A_250 = arith.muli %add3A_247, %mul3A_249 : vector<16xi32>
      %add3A_251 = arith.addi %mul3A_250, %min3A_229 : vector<16xi32>
      %swap3A_252 = arith.index_cast %multiple_of3A_206 : i32 to index
      %swap3A_253 = tpu.vector_load %arg7[%swap3A_252] {strides = array<i32>} : memref<8192xi32, #tpu.memory_space<vmem>>, vector<16xi32>,
      tpu.vector_store %arg7[%swap3A_252], %add3A_251 {strides = array<i32>} : memref<8192xi32, #tpu.memory_space<vmem>>, vector<16xi32>,
      %scan3A_254 = arith.constant 0 : i32
      %scan3A_255 = arith.constant 3 : i32
      %scan3A_256 = arith.addi %scan3A_102, %scan3A_255 : i32
      %mul3A_257 = arith.constant 16 : i32
      %mul3A_258 = arith.muli %scan3A_256, %mul3A_257 : i32
      %multiple_of3A_259 = tpu.assume_multiple %mul3A_258, 16 : i32
      %mul3A_260 = arith.constant 3 : i32
      %mul3A_261 = arith.muli %multiple_of3A_259, %mul3A_260 : i32
      %mul3A_262 = arith.constant 3 : i32
      %mul3A_263 = vector.broadcast %mul3A_262 : i32 to vector<16xi32>
      %mul3A_264 = arith.muli %iota3A, %mul3A_263 : vector<16xi32>
      %add3A_265 = vector.broadcast %mul3A_261 : i32 to vector<16xi32>
      %add3A_266 = arith.addi %add3A_265, %mul3A_264 : vector<16xi32>
      %gather3A_267 = tpu.vector_load_idx %arg6[%add3A_266] : memref<24576xf32, #tpu.memory_space<vmem>>[vector<16xi32>], vector<16xf32>,
      %add3A_268 = arith.constant 1 : i32
      %add3A_269 = vector.broadcast %add3A_268 : i32 to vector<16xi32>
      %add3A_270 = arith.addi %add3A_266, %add3A_269 : vector<16xi32>
      %gather3A_271 = tpu.vector_load_idx %arg6[%add3A_270] : memref<24576xf32, #tpu.memory_space<vmem>>[vector<16xi32>], vector<16xf32>,
      %add3A_272 = arith.constant 2 : i32
      %add3A_273 = vector.broadcast %add3A_272 : i32 to vector<16xi32>
      %add3A_274 = arith.addi %add3A_266, %add3A_273 : vector<16xi32>
      %gather3A_275 = tpu.vector_load_idx %arg6[%add3A_274] : memref<24576xf32, #tpu.memory_space<vmem>>[vector<16xi32>], vector<16xf32>,
      %mul3A_276 = vector.broadcast %scan3A_30 : f32 to vector<16xf32>
      %mul3A_277 = arith.mulf %gather3A_267, %mul3A_276 : vector<16xf32>
      %convert_element_type3A_278 = arith.fptosi %mul3A_277 : vector<16xf32> to vector<16xi32>
      %max3A_279 = vector.broadcast %scan3A_31 : i32 to vector<16xi32>
      %max3A_280 = arith.maxsi %max3A_279, %convert_element_type3A_278 : vector<16xi32>
      %min3A_281 = vector.broadcast %scan3A_32 : i32 to vector<16xi32>
      %min3A_282 = arith.minsi %min3A_281, %max3A_280 : vector<16xi32>
      %mul3A_283 = vector.broadcast %scan3A_30 : f32 to vector<16xf32>
      %mul3A_284 = arith.mulf %gather3A_271, %mul3A_283 : vector<16xf32>
      %convert_element_type3A_285 = arith.fptosi %mul3A_284 : vector<16xf32> to vector<16xi32>
      %max3A_286 = vector.broadcast %scan3A_31 : i32 to vector<16xi32>
      %max3A_287 = arith.maxsi %max3A_286, %convert_element_type3A_285 : vector<16xi32>
      %min3A_288 = vector.broadcast %scan3A_32 : i32 to vector<16xi32>
      %min3A_289 = arith.minsi %min3A_288, %max3A_287 : vector<16xi32>
      %mul3A_290 = vector.broadcast %scan3A_30 : f32 to vector<16xf32>
      %mul3A_291 = arith.mulf %gather3A_275, %mul3A_290 : vector<16xf32>
      %convert_element_type3A_292 = arith.fptosi %mul3A_291 : vector<16xf32> to vector<16xi32>
      %max3A_293 = vector.broadcast %scan3A_31 : i32 to vector<16xi32>
      %max3A_294 = arith.maxsi %max3A_293, %convert_element_type3A_292 : vector<16xi32>
      %min3A_295 = vector.broadcast %scan3A_32 : i32 to vector<16xi32>
      %min3A_296 = arith.minsi %min3A_295, %max3A_294 : vector<16xi32>
      %mul3A_297 = arith.constant 128 : i32
      %mul3A_298 = vector.broadcast %mul3A_297 : i32 to vector<16xi32>
      %mul3A_299 = arith.muli %min3A_296, %mul3A_298 : vector<16xi32>
      %add3A_300 = arith.addi %mul3A_299, %min3A_289 : vector<16xi32>
      %mul3A_301 = arith.constant 128 : i32
      %mul3A_302 = vector.broadcast %mul3A_301 : i32 to vector<16xi32>
      %mul3A_303 = arith.muli %add3A_300, %mul3A_302 : vector<16xi32>
      %add3A_304 = arith.addi %mul3A_303, %min3A_282 : vector<16xi32>
      %swap3A_305 = arith.index_cast %multiple_of3A_259 : i32 to index
      %swap3A_306 = tpu.vector_load %arg7[%swap3A_305] {strides = array<i32>} : memref<8192xi32, #tpu.memory_space<vmem>>, vector<16xi32>,
      tpu.vector_store %arg7[%swap3A_305], %add3A_304 {strides = array<i32>} : memref<8192xi32, #tpu.memory_space<vmem>>, vector<16xi32>,
      %scan3A_307 = arith.constant 0 : i32
      scf.yield %scan3A_307 : i32
    }
    %scan3A_39 = arith.constant 512 : i32
    %dma_start3A_40 = arith.constant 0 : i32
    %dma_start3A_41 = tpu.memref_slice %arg3[%dma_start3A_40] : memref<2097152xi32, #tpu.memory_space<hbm>> -> memref<2097152xi32, #tpu.memory_space<hbm>>
    tpu.enqueue_indirect_dma source(%dma_start3A_41 : memref<2097152xi32, #tpu.memory_space<hbm>>) target(%arg8 : memref<8192xi32, #tpu.memory_space<vmem>>) offsets(%arg7 : memref<8192xi32, #tpu.memory_space<vmem>>) semaphore(%arg10 : memref<!tpu.dma_semaphore, #tpu.memory_space<semaphore_mem>>)
    %dma_wait3A_42 = arith.constant 0 : i32
    %dma_wait3A_43 = tpu.memref_slice %arg3[%dma_wait3A_42] : memref<2097152xi32, #tpu.memory_space<hbm>> -> memref<2097152xi32, #tpu.memory_space<hbm>>
    tpu.wait_indirect_dma semaphore(%arg10 : memref<!tpu.dma_semaphore, #tpu.memory_space<semaphore_mem>>) src(%dma_wait3A_43 : memref<2097152xi32, #tpu.memory_space<hbm>>) dst(%arg8 : memref<8192xi32, #tpu.memory_space<vmem>>)
    %dma_start3A_44 = arith.constant 0 : i32
    %dma_start3A_45 = arith.constant 0 : i32
    %dma_start3A_46 = tpu.memref_slice %arg4[%dma_start3A_44, %dma_start3A_45] : memref<629791x3xf32, #tpu.memory_space<hbm>> -> memref<629791x3xf32, #tpu.memory_space<hbm>>
    tpu.enqueue_indirect_dma source(%dma_start3A_46 : memref<629791x3xf32, #tpu.memory_space<hbm>>) target(%arg9 : memref<8192x3xf32, #tpu.memory_space<vmem>>) offsets(%arg8 : memref<8192xi32, #tpu.memory_space<vmem>>) semaphore(%arg11 : memref<!tpu.dma_semaphore, #tpu.memory_space<semaphore_mem>>)
    %dma_wait3A_47 = arith.constant 0 : i32
    %dma_wait3A_48 = arith.constant 0 : i32
    %dma_wait3A_49 = tpu.memref_slice %arg4[%dma_wait3A_47, %dma_wait3A_48] : memref<629791x3xf32, #tpu.memory_space<hbm>> -> memref<629791x3xf32, #tpu.memory_space<hbm>>
    tpu.wait_indirect_dma semaphore(%arg11 : memref<!tpu.dma_semaphore, #tpu.memory_space<semaphore_mem>>) src(%dma_wait3A_49 : memref<629791x3xf32, #tpu.memory_space<hbm>>) dst(%arg9 : memref<8192x3xf32, #tpu.memory_space<vmem>>)
    "tpu.region"() ({
      %run_scoped3A = tpu.sem_alloc : memref<!tpu.dma_semaphore, #tpu.memory_space<semaphore_mem>>
      %dma_start3A_102 = arith.constant 0 : i32
      %dma_start3A_103 = tpu.memref_slice %arg5[%add3A_27, %dma_start3A_102] : memref<1048576x3xf32, #tpu.memory_space<hbm>> -> memref<8192x3xf32, #tpu.memory_space<hbm>>
      %dma_start3A_104 = arith.constant 0 : i32
      %dma_start3A_105 = tpu.memref_slice %arg5[%add3A_27, %dma_start3A_104] : memref<1048576x3xf32, #tpu.memory_space<hbm>> -> memref<8192x3xf32, #tpu.memory_space<hbm>>
      tpu.enqueue_dma source(%arg9 : memref<8192x3xf32, #tpu.memory_space<vmem>>) target(%dma_start3A_105 : memref<8192x3xf32, #tpu.memory_space<hbm>>) target_semaphore(%run_scoped3A : memref<!tpu.dma_semaphore, #tpu.memory_space<semaphore_mem>>)
      %dma_wait3A_106 = arith.constant 0 : i32
      %dma_wait3A_107 = tpu.memref_slice %arg5[%add3A_27, %dma_wait3A_106] : memref<1048576x3xf32, #tpu.memory_space<hbm>> -> memref<8192x3xf32, #tpu.memory_space<hbm>>
      %dma_wait3A_108 = arith.constant 0 : i32
      %dma_wait3A_109 = tpu.memref_slice %arg5[%add3A_27, %dma_wait3A_108] : memref<1048576x3xf32, #tpu.memory_space<hbm>> -> memref<8192x3xf32, #tpu.memory_space<hbm>>
      tpu.wait_dma2 semaphore(%run_scoped3A : memref<!tpu.dma_semaphore, #tpu.memory_space<semaphore_mem>>) src(%arg9 : memref<8192x3xf32, #tpu.memory_space<vmem>>) dst(%dma_wait3A_109 : memref<8192x3xf32, #tpu.memory_space<hbm>>)
      tpu.yield
    }) : () -> ()
    %mul3A_50 = arith.constant 32768 : i32
    %mul3A_51 = arith.muli %add3A, %mul3A_50 : i32
    %add3A_52 = arith.constant 16384 : i32
    %add3A_53 = arith.addi %mul3A_51, %add3A_52 : i32
    %mul3A_54 = arith.constant 3 : i32
    %mul3A_55 = arith.muli %mul3A_54, %add3A_53 : i32
    "tpu.region"() ({
      %run_scoped3A = tpu.sem_alloc : memref<!tpu.dma_semaphore, #tpu.memory_space<semaphore_mem>>
      %dma_start3A_102 = tpu.memref_slice %arg2[%mul3A_55] : memref<3145728xf32, #tpu.memory_space<hbm>> -> memref<24576xf32, #tpu.memory_space<hbm>>
      %dma_start3A_103 = tpu.memref_slice %arg2[%mul3A_55] : memref<3145728xf32, #tpu.memory_space<hbm>> -> memref<24576xf32, #tpu.memory_space<hbm>>
      tpu.enqueue_dma source(%dma_start3A_103 : memref<24576xf32, #tpu.memory_space<hbm>>) target(%arg6 : memref<24576xf32, #tpu.memory_space<vmem>>) target_semaphore(%run_scoped3A : memref<!tpu.dma_semaphore, #tpu.memory_space<semaphore_mem>>)
      %dma_wait3A_104 = tpu.memref_slice %arg2[%mul3A_55] : memref<3145728xf32, #tpu.memory_space<hbm>> -> memref<24576xf32, #tpu.memory_space<hbm>>
      %dma_wait3A_105 = tpu.memref_slice %arg2[%mul3A_55] : memref<3145728xf32, #tpu.memory_space<hbm>> -> memref<24576xf32, #tpu.memory_space<hbm>>
      tpu.wait_dma2 semaphore(%run_scoped3A : memref<!tpu.dma_semaphore, #tpu.memory_space<semaphore_mem>>) src(%dma_wait3A_105 : memref<24576xf32, #tpu.memory_space<hbm>>) dst(%arg6 : memref<24576xf32, #tpu.memory_space<vmem>>)
      tpu.yield
    }) : () -> ()
    %scan3A_56 = arith.constant 1.280000e+02 : f32
    %scan3A_57 = arith.constant 0 : i32
    %scan3A_58 = arith.constant 127 : i32
    %scan3A_59 = arith.constant 0 : i32
    %scan3A_60 = arith.constant 0 : i32
    %scan3A_61 = arith.constant 512 : i32
    %scan3A_62 = arith.addi %scan3A_60, %scan3A_61 : i32
    %scan3A_63 = arith.constant 4 : i32
    %scan3A_64 = scf.for %scan3A_102 = %scan3A_60 to %scan3A_62 step %scan3A_63 iter_args(%scan3A_103 = %scan3A_59) -> (i32)  : i32 {
      %mul3A_104 = arith.constant 16 : i32
      %mul3A_105 = arith.muli %scan3A_102, %mul3A_104 : i32
      %multiple_of3A = tpu.assume_multiple %mul3A_105, 16 : i32
      %mul3A_106 = arith.constant 3 : i32
      %mul3A_107 = arith.muli %multiple_of3A, %mul3A_106 : i32
      %mul3A_108 = arith.constant 3 : i32
      %mul3A_109 = vector.broadcast %mul3A_108 : i32 to vector<16xi32>
      %mul3A_110 = arith.muli %iota3A, %mul3A_109 : vector<16xi32>
      %add3A_111 = vector.broadcast %mul3A_107 : i32 to vector<16xi32>
      %add3A_112 = arith.addi %add3A_111, %mul3A_110 : vector<16xi32>
      %gather3A = tpu.vector_load_idx %arg6[%add3A_112] : memref<24576xf32, #tpu.memory_space<vmem>>[vector<16xi32>], vector<16xf32>,
      %add3A_113 = arith.constant 1 : i32
      %add3A_114 = vector.broadcast %add3A_113 : i32 to vector<16xi32>
      %add3A_115 = arith.addi %add3A_112, %add3A_114 : vector<16xi32>
      %gather3A_116 = tpu.vector_load_idx %arg6[%add3A_115] : memref<24576xf32, #tpu.memory_space<vmem>>[vector<16xi32>], vector<16xf32>,
      %add3A_117 = arith.constant 2 : i32
      %add3A_118 = vector.broadcast %add3A_117 : i32 to vector<16xi32>
      %add3A_119 = arith.addi %add3A_112, %add3A_118 : vector<16xi32>
      %gather3A_120 = tpu.vector_load_idx %arg6[%add3A_119] : memref<24576xf32, #tpu.memory_space<vmem>>[vector<16xi32>], vector<16xf32>,
      %mul3A_121 = vector.broadcast %scan3A_56 : f32 to vector<16xf32>
      %mul3A_122 = arith.mulf %gather3A, %mul3A_121 : vector<16xf32>
      %convert_element_type3A = arith.fptosi %mul3A_122 : vector<16xf32> to vector<16xi32>
      %max3A = vector.broadcast %scan3A_57 : i32 to vector<16xi32>
      %max3A_123 = arith.maxsi %max3A, %convert_element_type3A : vector<16xi32>
      %min3A = vector.broadcast %scan3A_58 : i32 to vector<16xi32>
      %min3A_124 = arith.minsi %min3A, %max3A_123 : vector<16xi32>
      %mul3A_125 = vector.broadcast %scan3A_56 : f32 to vector<16xf32>
      %mul3A_126 = arith.mulf %gather3A_116, %mul3A_125 : vector<16xf32>
      %convert_element_type3A_127 = arith.fptosi %mul3A_126 : vector<16xf32> to vector<16xi32>
      %max3A_128 = vector.broadcast %scan3A_57 : i32 to vector<16xi32>
      %max3A_129 = arith.maxsi %max3A_128, %convert_element_type3A_127 : vector<16xi32>
      %min3A_130 = vector.broadcast %scan3A_58 : i32 to vector<16xi32>
      %min3A_131 = arith.minsi %min3A_130, %max3A_129 : vector<16xi32>
      %mul3A_132 = vector.broadcast %scan3A_56 : f32 to vector<16xf32>
      %mul3A_133 = arith.mulf %gather3A_120, %mul3A_132 : vector<16xf32>
      %convert_element_type3A_134 = arith.fptosi %mul3A_133 : vector<16xf32> to vector<16xi32>
      %max3A_135 = vector.broadcast %scan3A_57 : i32 to vector<16xi32>
      %max3A_136 = arith.maxsi %max3A_135, %convert_element_type3A_134 : vector<16xi32>
      %min3A_137 = vector.broadcast %scan3A_58 : i32 to vector<16xi32>
      %min3A_138 = arith.minsi %min3A_137, %max3A_136 : vector<16xi32>
      %mul3A_139 = arith.constant 128 : i32
      %mul3A_140 = vector.broadcast %mul3A_139 : i32 to vector<16xi32>
      %mul3A_141 = arith.muli %min3A_138, %mul3A_140 : vector<16xi32>
      %add3A_142 = arith.addi %mul3A_141, %min3A_131 : vector<16xi32>
      %mul3A_143 = arith.constant 128 : i32
      %mul3A_144 = vector.broadcast %mul3A_143 : i32 to vector<16xi32>
      %mul3A_145 = arith.muli %add3A_142, %mul3A_144 : vector<16xi32>
      %add3A_146 = arith.addi %mul3A_145, %min3A_124 : vector<16xi32>
      %swap3A = arith.index_cast %multiple_of3A : i32 to index
      %swap3A_147 = tpu.vector_load %arg7[%swap3A] {strides = array<i32>} : memref<8192xi32, #tpu.memory_space<vmem>>, vector<16xi32>,
      tpu.vector_store %arg7[%swap3A], %add3A_146 {strides = array<i32>} : memref<8192xi32, #tpu.memory_space<vmem>>, vector<16xi32>,
      %scan3A_148 = arith.constant 0 : i32
      %scan3A_149 = arith.constant 1 : i32
      %scan3A_150 = arith.addi %scan3A_102, %scan3A_149 : i32
      %mul3A_151 = arith.constant 16 : i32
      %mul3A_152 = arith.muli %scan3A_150, %mul3A_151 : i32
      %multiple_of3A_153 = tpu.assume_multiple %mul3A_152, 16 : i32
      %mul3A_154 = arith.constant 3 : i32
      %mul3A_155 = arith.muli %multiple_of3A_153, %mul3A_154 : i32
      %mul3A_156 = arith.constant 3 : i32
      %mul3A_157 = vector.broadcast %mul3A_156 : i32 to vector<16xi32>
      %mul3A_158 = arith.muli %iota3A, %mul3A_157 : vector<16xi32>
      %add3A_159 = vector.broadcast %mul3A_155 : i32 to vector<16xi32>
      %add3A_160 = arith.addi %add3A_159, %mul3A_158 : vector<16xi32>
      %gather3A_161 = tpu.vector_load_idx %arg6[%add3A_160] : memref<24576xf32, #tpu.memory_space<vmem>>[vector<16xi32>], vector<16xf32>,
      %add3A_162 = arith.constant 1 : i32
      %add3A_163 = vector.broadcast %add3A_162 : i32 to vector<16xi32>
      %add3A_164 = arith.addi %add3A_160, %add3A_163 : vector<16xi32>
      %gather3A_165 = tpu.vector_load_idx %arg6[%add3A_164] : memref<24576xf32, #tpu.memory_space<vmem>>[vector<16xi32>], vector<16xf32>,
      %add3A_166 = arith.constant 2 : i32
      %add3A_167 = vector.broadcast %add3A_166 : i32 to vector<16xi32>
      %add3A_168 = arith.addi %add3A_160, %add3A_167 : vector<16xi32>
      %gather3A_169 = tpu.vector_load_idx %arg6[%add3A_168] : memref<24576xf32, #tpu.memory_space<vmem>>[vector<16xi32>], vector<16xf32>,
      %mul3A_170 = vector.broadcast %scan3A_56 : f32 to vector<16xf32>
      %mul3A_171 = arith.mulf %gather3A_161, %mul3A_170 : vector<16xf32>
      %convert_element_type3A_172 = arith.fptosi %mul3A_171 : vector<16xf32> to vector<16xi32>
      %max3A_173 = vector.broadcast %scan3A_57 : i32 to vector<16xi32>
      %max3A_174 = arith.maxsi %max3A_173, %convert_element_type3A_172 : vector<16xi32>
      %min3A_175 = vector.broadcast %scan3A_58 : i32 to vector<16xi32>
      %min3A_176 = arith.minsi %min3A_175, %max3A_174 : vector<16xi32>
      %mul3A_177 = vector.broadcast %scan3A_56 : f32 to vector<16xf32>
      %mul3A_178 = arith.mulf %gather3A_165, %mul3A_177 : vector<16xf32>
      %convert_element_type3A_179 = arith.fptosi %mul3A_178 : vector<16xf32> to vector<16xi32>
      %max3A_180 = vector.broadcast %scan3A_57 : i32 to vector<16xi32>
      %max3A_181 = arith.maxsi %max3A_180, %convert_element_type3A_179 : vector<16xi32>
      %min3A_182 = vector.broadcast %scan3A_58 : i32 to vector<16xi32>
      %min3A_183 = arith.minsi %min3A_182, %max3A_181 : vector<16xi32>
      %mul3A_184 = vector.broadcast %scan3A_56 : f32 to vector<16xf32>
      %mul3A_185 = arith.mulf %gather3A_169, %mul3A_184 : vector<16xf32>
      %convert_element_type3A_186 = arith.fptosi %mul3A_185 : vector<16xf32> to vector<16xi32>
      %max3A_187 = vector.broadcast %scan3A_57 : i32 to vector<16xi32>
      %max3A_188 = arith.maxsi %max3A_187, %convert_element_type3A_186 : vector<16xi32>
      %min3A_189 = vector.broadcast %scan3A_58 : i32 to vector<16xi32>
      %min3A_190 = arith.minsi %min3A_189, %max3A_188 : vector<16xi32>
      %mul3A_191 = arith.constant 128 : i32
      %mul3A_192 = vector.broadcast %mul3A_191 : i32 to vector<16xi32>
      %mul3A_193 = arith.muli %min3A_190, %mul3A_192 : vector<16xi32>
      %add3A_194 = arith.addi %mul3A_193, %min3A_183 : vector<16xi32>
      %mul3A_195 = arith.constant 128 : i32
      %mul3A_196 = vector.broadcast %mul3A_195 : i32 to vector<16xi32>
      %mul3A_197 = arith.muli %add3A_194, %mul3A_196 : vector<16xi32>
      %add3A_198 = arith.addi %mul3A_197, %min3A_176 : vector<16xi32>
      %swap3A_199 = arith.index_cast %multiple_of3A_153 : i32 to index
      %swap3A_200 = tpu.vector_load %arg7[%swap3A_199] {strides = array<i32>} : memref<8192xi32, #tpu.memory_space<vmem>>, vector<16xi32>,
      tpu.vector_store %arg7[%swap3A_199], %add3A_198 {strides = array<i32>} : memref<8192xi32, #tpu.memory_space<vmem>>, vector<16xi32>,
      %scan3A_201 = arith.constant 0 : i32
      %scan3A_202 = arith.constant 2 : i32
      %scan3A_203 = arith.addi %scan3A_102, %scan3A_202 : i32
      %mul3A_204 = arith.constant 16 : i32
      %mul3A_205 = arith.muli %scan3A_203, %mul3A_204 : i32
      %multiple_of3A_206 = tpu.assume_multiple %mul3A_205, 16 : i32
      %mul3A_207 = arith.constant 3 : i32
      %mul3A_208 = arith.muli %multiple_of3A_206, %mul3A_207 : i32
      %mul3A_209 = arith.constant 3 : i32
      %mul3A_210 = vector.broadcast %mul3A_209 : i32 to vector<16xi32>
      %mul3A_211 = arith.muli %iota3A, %mul3A_210 : vector<16xi32>
      %add3A_212 = vector.broadcast %mul3A_208 : i32 to vector<16xi32>
      %add3A_213 = arith.addi %add3A_212, %mul3A_211 : vector<16xi32>
      %gather3A_214 = tpu.vector_load_idx %arg6[%add3A_213] : memref<24576xf32, #tpu.memory_space<vmem>>[vector<16xi32>], vector<16xf32>,
      %add3A_215 = arith.constant 1 : i32
      %add3A_216 = vector.broadcast %add3A_215 : i32 to vector<16xi32>
      %add3A_217 = arith.addi %add3A_213, %add3A_216 : vector<16xi32>
      %gather3A_218 = tpu.vector_load_idx %arg6[%add3A_217] : memref<24576xf32, #tpu.memory_space<vmem>>[vector<16xi32>], vector<16xf32>,
      %add3A_219 = arith.constant 2 : i32
      %add3A_220 = vector.broadcast %add3A_219 : i32 to vector<16xi32>
      %add3A_221 = arith.addi %add3A_213, %add3A_220 : vector<16xi32>
      %gather3A_222 = tpu.vector_load_idx %arg6[%add3A_221] : memref<24576xf32, #tpu.memory_space<vmem>>[vector<16xi32>], vector<16xf32>,
      %mul3A_223 = vector.broadcast %scan3A_56 : f32 to vector<16xf32>
      %mul3A_224 = arith.mulf %gather3A_214, %mul3A_223 : vector<16xf32>
      %convert_element_type3A_225 = arith.fptosi %mul3A_224 : vector<16xf32> to vector<16xi32>
      %max3A_226 = vector.broadcast %scan3A_57 : i32 to vector<16xi32>
      %max3A_227 = arith.maxsi %max3A_226, %convert_element_type3A_225 : vector<16xi32>
      %min3A_228 = vector.broadcast %scan3A_58 : i32 to vector<16xi32>
      %min3A_229 = arith.minsi %min3A_228, %max3A_227 : vector<16xi32>
      %mul3A_230 = vector.broadcast %scan3A_56 : f32 to vector<16xf32>
      %mul3A_231 = arith.mulf %gather3A_218, %mul3A_230 : vector<16xf32>
      %convert_element_type3A_232 = arith.fptosi %mul3A_231 : vector<16xf32> to vector<16xi32>
      %max3A_233 = vector.broadcast %scan3A_57 : i32 to vector<16xi32>
      %max3A_234 = arith.maxsi %max3A_233, %convert_element_type3A_232 : vector<16xi32>
      %min3A_235 = vector.broadcast %scan3A_58 : i32 to vector<16xi32>
      %min3A_236 = arith.minsi %min3A_235, %max3A_234 : vector<16xi32>
      %mul3A_237 = vector.broadcast %scan3A_56 : f32 to vector<16xf32>
      %mul3A_238 = arith.mulf %gather3A_222, %mul3A_237 : vector<16xf32>
      %convert_element_type3A_239 = arith.fptosi %mul3A_238 : vector<16xf32> to vector<16xi32>
      %max3A_240 = vector.broadcast %scan3A_57 : i32 to vector<16xi32>
      %max3A_241 = arith.maxsi %max3A_240, %convert_element_type3A_239 : vector<16xi32>
      %min3A_242 = vector.broadcast %scan3A_58 : i32 to vector<16xi32>
      %min3A_243 = arith.minsi %min3A_242, %max3A_241 : vector<16xi32>
      %mul3A_244 = arith.constant 128 : i32
      %mul3A_245 = vector.broadcast %mul3A_244 : i32 to vector<16xi32>
      %mul3A_246 = arith.muli %min3A_243, %mul3A_245 : vector<16xi32>
      %add3A_247 = arith.addi %mul3A_246, %min3A_236 : vector<16xi32>
      %mul3A_248 = arith.constant 128 : i32
      %mul3A_249 = vector.broadcast %mul3A_248 : i32 to vector<16xi32>
      %mul3A_250 = arith.muli %add3A_247, %mul3A_249 : vector<16xi32>
      %add3A_251 = arith.addi %mul3A_250, %min3A_229 : vector<16xi32>
      %swap3A_252 = arith.index_cast %multiple_of3A_206 : i32 to index
      %swap3A_253 = tpu.vector_load %arg7[%swap3A_252] {strides = array<i32>} : memref<8192xi32, #tpu.memory_space<vmem>>, vector<16xi32>,
      tpu.vector_store %arg7[%swap3A_252], %add3A_251 {strides = array<i32>} : memref<8192xi32, #tpu.memory_space<vmem>>, vector<16xi32>,
      %scan3A_254 = arith.constant 0 : i32
      %scan3A_255 = arith.constant 3 : i32
      %scan3A_256 = arith.addi %scan3A_102, %scan3A_255 : i32
      %mul3A_257 = arith.constant 16 : i32
      %mul3A_258 = arith.muli %scan3A_256, %mul3A_257 : i32
      %multiple_of3A_259 = tpu.assume_multiple %mul3A_258, 16 : i32
      %mul3A_260 = arith.constant 3 : i32
      %mul3A_261 = arith.muli %multiple_of3A_259, %mul3A_260 : i32
      %mul3A_262 = arith.constant 3 : i32
      %mul3A_263 = vector.broadcast %mul3A_262 : i32 to vector<16xi32>
      %mul3A_264 = arith.muli %iota3A, %mul3A_263 : vector<16xi32>
      %add3A_265 = vector.broadcast %mul3A_261 : i32 to vector<16xi32>
      %add3A_266 = arith.addi %add3A_265, %mul3A_264 : vector<16xi32>
      %gather3A_267 = tpu.vector_load_idx %arg6[%add3A_266] : memref<24576xf32, #tpu.memory_space<vmem>>[vector<16xi32>], vector<16xf32>,
      %add3A_268 = arith.constant 1 : i32
      %add3A_269 = vector.broadcast %add3A_268 : i32 to vector<16xi32>
      %add3A_270 = arith.addi %add3A_266, %add3A_269 : vector<16xi32>
      %gather3A_271 = tpu.vector_load_idx %arg6[%add3A_270] : memref<24576xf32, #tpu.memory_space<vmem>>[vector<16xi32>], vector<16xf32>,
      %add3A_272 = arith.constant 2 : i32
      %add3A_273 = vector.broadcast %add3A_272 : i32 to vector<16xi32>
      %add3A_274 = arith.addi %add3A_266, %add3A_273 : vector<16xi32>
      %gather3A_275 = tpu.vector_load_idx %arg6[%add3A_274] : memref<24576xf32, #tpu.memory_space<vmem>>[vector<16xi32>], vector<16xf32>,
      %mul3A_276 = vector.broadcast %scan3A_56 : f32 to vector<16xf32>
      %mul3A_277 = arith.mulf %gather3A_267, %mul3A_276 : vector<16xf32>
      %convert_element_type3A_278 = arith.fptosi %mul3A_277 : vector<16xf32> to vector<16xi32>
      %max3A_279 = vector.broadcast %scan3A_57 : i32 to vector<16xi32>
      %max3A_280 = arith.maxsi %max3A_279, %convert_element_type3A_278 : vector<16xi32>
      %min3A_281 = vector.broadcast %scan3A_58 : i32 to vector<16xi32>
      %min3A_282 = arith.minsi %min3A_281, %max3A_280 : vector<16xi32>
      %mul3A_283 = vector.broadcast %scan3A_56 : f32 to vector<16xf32>
      %mul3A_284 = arith.mulf %gather3A_271, %mul3A_283 : vector<16xf32>
      %convert_element_type3A_285 = arith.fptosi %mul3A_284 : vector<16xf32> to vector<16xi32>
      %max3A_286 = vector.broadcast %scan3A_57 : i32 to vector<16xi32>
      %max3A_287 = arith.maxsi %max3A_286, %convert_element_type3A_285 : vector<16xi32>
      %min3A_288 = vector.broadcast %scan3A_58 : i32 to vector<16xi32>
      %min3A_289 = arith.minsi %min3A_288, %max3A_287 : vector<16xi32>
      %mul3A_290 = vector.broadcast %scan3A_56 : f32 to vector<16xf32>
      %mul3A_291 = arith.mulf %gather3A_275, %mul3A_290 : vector<16xf32>
      %convert_element_type3A_292 = arith.fptosi %mul3A_291 : vector<16xf32> to vector<16xi32>
      %max3A_293 = vector.broadcast %scan3A_57 : i32 to vector<16xi32>
      %max3A_294 = arith.maxsi %max3A_293, %convert_element_type3A_292 : vector<16xi32>
      %min3A_295 = vector.broadcast %scan3A_58 : i32 to vector<16xi32>
      %min3A_296 = arith.minsi %min3A_295, %max3A_294 : vector<16xi32>
      %mul3A_297 = arith.constant 128 : i32
      %mul3A_298 = vector.broadcast %mul3A_297 : i32 to vector<16xi32>
      %mul3A_299 = arith.muli %min3A_296, %mul3A_298 : vector<16xi32>
      %add3A_300 = arith.addi %mul3A_299, %min3A_289 : vector<16xi32>
      %mul3A_301 = arith.constant 128 : i32
      %mul3A_302 = vector.broadcast %mul3A_301 : i32 to vector<16xi32>
      %mul3A_303 = arith.muli %add3A_300, %mul3A_302 : vector<16xi32>
      %add3A_304 = arith.addi %mul3A_303, %min3A_282 : vector<16xi32>
      %swap3A_305 = arith.index_cast %multiple_of3A_259 : i32 to index
      %swap3A_306 = tpu.vector_load %arg7[%swap3A_305] {strides = array<i32>} : memref<8192xi32, #tpu.memory_space<vmem>>, vector<16xi32>,
      tpu.vector_store %arg7[%swap3A_305], %add3A_304 {strides = array<i32>} : memref<8192xi32, #tpu.memory_space<vmem>>, vector<16xi32>,
      %scan3A_307 = arith.constant 0 : i32
      scf.yield %scan3A_307 : i32
    }
    %scan3A_65 = arith.constant 512 : i32
    %dma_start3A_66 = arith.constant 0 : i32
    %dma_start3A_67 = tpu.memref_slice %arg3[%dma_start3A_66] : memref<2097152xi32, #tpu.memory_space<hbm>> -> memref<2097152xi32, #tpu.memory_space<hbm>>
    tpu.enqueue_indirect_dma source(%dma_start3A_67 : memref<2097152xi32, #tpu.memory_space<hbm>>) target(%arg8 : memref<8192xi32, #tpu.memory_space<vmem>>) offsets(%arg7 : memref<8192xi32, #tpu.memory_space<vmem>>) semaphore(%arg10 : memref<!tpu.dma_semaphore, #tpu.memory_space<semaphore_mem>>)
    %dma_wait3A_68 = arith.constant 0 : i32
    %dma_wait3A_69 = tpu.memref_slice %arg3[%dma_wait3A_68] : memref<2097152xi32, #tpu.memory_space<hbm>> -> memref<2097152xi32, #tpu.memory_space<hbm>>
    tpu.wait_indirect_dma semaphore(%arg10 : memref<!tpu.dma_semaphore, #tpu.memory_space<semaphore_mem>>) src(%dma_wait3A_69 : memref<2097152xi32, #tpu.memory_space<hbm>>) dst(%arg8 : memref<8192xi32, #tpu.memory_space<vmem>>)
    %dma_start3A_70 = arith.constant 0 : i32
    %dma_start3A_71 = arith.constant 0 : i32
    %dma_start3A_72 = tpu.memref_slice %arg4[%dma_start3A_70, %dma_start3A_71] : memref<629791x3xf32, #tpu.memory_space<hbm>> -> memref<629791x3xf32, #tpu.memory_space<hbm>>
    tpu.enqueue_indirect_dma source(%dma_start3A_72 : memref<629791x3xf32, #tpu.memory_space<hbm>>) target(%arg9 : memref<8192x3xf32, #tpu.memory_space<vmem>>) offsets(%arg8 : memref<8192xi32, #tpu.memory_space<vmem>>) semaphore(%arg11 : memref<!tpu.dma_semaphore, #tpu.memory_space<semaphore_mem>>)
    %dma_wait3A_73 = arith.constant 0 : i32
    %dma_wait3A_74 = arith.constant 0 : i32
    %dma_wait3A_75 = tpu.memref_slice %arg4[%dma_wait3A_73, %dma_wait3A_74] : memref<629791x3xf32, #tpu.memory_space<hbm>> -> memref<629791x3xf32, #tpu.memory_space<hbm>>
    tpu.wait_indirect_dma semaphore(%arg11 : memref<!tpu.dma_semaphore, #tpu.memory_space<semaphore_mem>>) src(%dma_wait3A_75 : memref<629791x3xf32, #tpu.memory_space<hbm>>) dst(%arg9 : memref<8192x3xf32, #tpu.memory_space<vmem>>)
    "tpu.region"() ({
      %run_scoped3A = tpu.sem_alloc : memref<!tpu.dma_semaphore, #tpu.memory_space<semaphore_mem>>
      %dma_start3A_102 = arith.constant 0 : i32
      %dma_start3A_103 = tpu.memref_slice %arg5[%add3A_53, %dma_start3A_102] : memref<1048576x3xf32, #tpu.memory_space<hbm>> -> memref<8192x3xf32, #tpu.memory_space<hbm>>
      %dma_start3A_104 = arith.constant 0 : i32
      %dma_start3A_105 = tpu.memref_slice %arg5[%add3A_53, %dma_start3A_104] : memref<1048576x3xf32, #tpu.memory_space<hbm>> -> memref<8192x3xf32, #tpu.memory_space<hbm>>
      tpu.enqueue_dma source(%arg9 : memref<8192x3xf32, #tpu.memory_space<vmem>>) target(%dma_start3A_105 : memref<8192x3xf32, #tpu.memory_space<hbm>>) target_semaphore(%run_scoped3A : memref<!tpu.dma_semaphore, #tpu.memory_space<semaphore_mem>>)
      %dma_wait3A_106 = arith.constant 0 : i32
      %dma_wait3A_107 = tpu.memref_slice %arg5[%add3A_53, %dma_wait3A_106] : memref<1048576x3xf32, #tpu.memory_space<hbm>> -> memref<8192x3xf32, #tpu.memory_space<hbm>>
      %dma_wait3A_108 = arith.constant 0 : i32
      %dma_wait3A_109 = tpu.memref_slice %arg5[%add3A_53, %dma_wait3A_108] : memref<1048576x3xf32, #tpu.memory_space<hbm>> -> memref<8192x3xf32, #tpu.memory_space<hbm>>
      tpu.wait_dma2 semaphore(%run_scoped3A : memref<!tpu.dma_semaphore, #tpu.memory_space<semaphore_mem>>) src(%arg9 : memref<8192x3xf32, #tpu.memory_space<vmem>>) dst(%dma_wait3A_109 : memref<8192x3xf32, #tpu.memory_space<hbm>>)
      tpu.yield
    }) : () -> ()
    %mul3A_76 = arith.constant 32768 : i32
    %mul3A_77 = arith.muli %add3A, %mul3A_76 : i32
    %add3A_78 = arith.constant 24576 : i32
    %add3A_79 = arith.addi %mul3A_77, %add3A_78 : i32
    %mul3A_80 = arith.constant 3 : i32
    %mul3A_81 = arith.muli %mul3A_80, %add3A_79 : i32
    "tpu.region"() ({
      %run_scoped3A = tpu.sem_alloc : memref<!tpu.dma_semaphore, #tpu.memory_space<semaphore_mem>>
      %dma_start3A_102 = tpu.memref_slice %arg2[%mul3A_81] : memref<3145728xf32, #tpu.memory_space<hbm>> -> memref<24576xf32, #tpu.memory_space<hbm>>
      %dma_start3A_103 = tpu.memref_slice %arg2[%mul3A_81] : memref<3145728xf32, #tpu.memory_space<hbm>> -> memref<24576xf32, #tpu.memory_space<hbm>>
      tpu.enqueue_dma source(%dma_start3A_103 : memref<24576xf32, #tpu.memory_space<hbm>>) target(%arg6 : memref<24576xf32, #tpu.memory_space<vmem>>) target_semaphore(%run_scoped3A : memref<!tpu.dma_semaphore, #tpu.memory_space<semaphore_mem>>)
      %dma_wait3A_104 = tpu.memref_slice %arg2[%mul3A_81] : memref<3145728xf32, #tpu.memory_space<hbm>> -> memref<24576xf32, #tpu.memory_space<hbm>>
      %dma_wait3A_105 = tpu.memref_slice %arg2[%mul3A_81] : memref<3145728xf32, #tpu.memory_space<hbm>> -> memref<24576xf32, #tpu.memory_space<hbm>>
      tpu.wait_dma2 semaphore(%run_scoped3A : memref<!tpu.dma_semaphore, #tpu.memory_space<semaphore_mem>>) src(%dma_wait3A_105 : memref<24576xf32, #tpu.memory_space<hbm>>) dst(%arg6 : memref<24576xf32, #tpu.memory_space<vmem>>)
      tpu.yield
    }) : () -> ()
    %scan3A_82 = arith.constant 1.280000e+02 : f32
    %scan3A_83 = arith.constant 0 : i32
    %scan3A_84 = arith.constant 127 : i32
    %scan3A_85 = arith.constant 0 : i32
    %scan3A_86 = arith.constant 0 : i32
    %scan3A_87 = arith.constant 512 : i32
    %scan3A_88 = arith.addi %scan3A_86, %scan3A_87 : i32
    %scan3A_89 = arith.constant 4 : i32
    %scan3A_90 = scf.for %scan3A_102 = %scan3A_86 to %scan3A_88 step %scan3A_89 iter_args(%scan3A_103 = %scan3A_85) -> (i32)  : i32 {
      %mul3A_104 = arith.constant 16 : i32
      %mul3A_105 = arith.muli %scan3A_102, %mul3A_104 : i32
      %multiple_of3A = tpu.assume_multiple %mul3A_105, 16 : i32
      %mul3A_106 = arith.constant 3 : i32
      %mul3A_107 = arith.muli %multiple_of3A, %mul3A_106 : i32
      %mul3A_108 = arith.constant 3 : i32
      %mul3A_109 = vector.broadcast %mul3A_108 : i32 to vector<16xi32>
      %mul3A_110 = arith.muli %iota3A, %mul3A_109 : vector<16xi32>
      %add3A_111 = vector.broadcast %mul3A_107 : i32 to vector<16xi32>
      %add3A_112 = arith.addi %add3A_111, %mul3A_110 : vector<16xi32>
      %gather3A = tpu.vector_load_idx %arg6[%add3A_112] : memref<24576xf32, #tpu.memory_space<vmem>>[vector<16xi32>], vector<16xf32>,
      %add3A_113 = arith.constant 1 : i32
      %add3A_114 = vector.broadcast %add3A_113 : i32 to vector<16xi32>
      %add3A_115 = arith.addi %add3A_112, %add3A_114 : vector<16xi32>
      %gather3A_116 = tpu.vector_load_idx %arg6[%add3A_115] : memref<24576xf32, #tpu.memory_space<vmem>>[vector<16xi32>], vector<16xf32>,
      %add3A_117 = arith.constant 2 : i32
      %add3A_118 = vector.broadcast %add3A_117 : i32 to vector<16xi32>
      %add3A_119 = arith.addi %add3A_112, %add3A_118 : vector<16xi32>
      %gather3A_120 = tpu.vector_load_idx %arg6[%add3A_119] : memref<24576xf32, #tpu.memory_space<vmem>>[vector<16xi32>], vector<16xf32>,
      %mul3A_121 = vector.broadcast %scan3A_82 : f32 to vector<16xf32>
      %mul3A_122 = arith.mulf %gather3A, %mul3A_121 : vector<16xf32>
      %convert_element_type3A = arith.fptosi %mul3A_122 : vector<16xf32> to vector<16xi32>
      %max3A = vector.broadcast %scan3A_83 : i32 to vector<16xi32>
      %max3A_123 = arith.maxsi %max3A, %convert_element_type3A : vector<16xi32>
      %min3A = vector.broadcast %scan3A_84 : i32 to vector<16xi32>
      %min3A_124 = arith.minsi %min3A, %max3A_123 : vector<16xi32>
      %mul3A_125 = vector.broadcast %scan3A_82 : f32 to vector<16xf32>
      %mul3A_126 = arith.mulf %gather3A_116, %mul3A_125 : vector<16xf32>
      %convert_element_type3A_127 = arith.fptosi %mul3A_126 : vector<16xf32> to vector<16xi32>
      %max3A_128 = vector.broadcast %scan3A_83 : i32 to vector<16xi32>
      %max3A_129 = arith.maxsi %max3A_128, %convert_element_type3A_127 : vector<16xi32>
      %min3A_130 = vector.broadcast %scan3A_84 : i32 to vector<16xi32>
      %min3A_131 = arith.minsi %min3A_130, %max3A_129 : vector<16xi32>
      %mul3A_132 = vector.broadcast %scan3A_82 : f32 to vector<16xf32>
      %mul3A_133 = arith.mulf %gather3A_120, %mul3A_132 : vector<16xf32>
      %convert_element_type3A_134 = arith.fptosi %mul3A_133 : vector<16xf32> to vector<16xi32>
      %max3A_135 = vector.broadcast %scan3A_83 : i32 to vector<16xi32>
      %max3A_136 = arith.maxsi %max3A_135, %convert_element_type3A_134 : vector<16xi32>
      %min3A_137 = vector.broadcast %scan3A_84 : i32 to vector<16xi32>
      %min3A_138 = arith.minsi %min3A_137, %max3A_136 : vector<16xi32>
      %mul3A_139 = arith.constant 128 : i32
      %mul3A_140 = vector.broadcast %mul3A_139 : i32 to vector<16xi32>
      %mul3A_141 = arith.muli %min3A_138, %mul3A_140 : vector<16xi32>
      %add3A_142 = arith.addi %mul3A_141, %min3A_131 : vector<16xi32>
      %mul3A_143 = arith.constant 128 : i32
      %mul3A_144 = vector.broadcast %mul3A_143 : i32 to vector<16xi32>
      %mul3A_145 = arith.muli %add3A_142, %mul3A_144 : vector<16xi32>
      %add3A_146 = arith.addi %mul3A_145, %min3A_124 : vector<16xi32>
      %swap3A = arith.index_cast %multiple_of3A : i32 to index
      %swap3A_147 = tpu.vector_load %arg7[%swap3A] {strides = array<i32>} : memref<8192xi32, #tpu.memory_space<vmem>>, vector<16xi32>,
      tpu.vector_store %arg7[%swap3A], %add3A_146 {strides = array<i32>} : memref<8192xi32, #tpu.memory_space<vmem>>, vector<16xi32>,
      %scan3A_148 = arith.constant 0 : i32
      %scan3A_149 = arith.constant 1 : i32
      %scan3A_150 = arith.addi %scan3A_102, %scan3A_149 : i32
      %mul3A_151 = arith.constant 16 : i32
      %mul3A_152 = arith.muli %scan3A_150, %mul3A_151 : i32
      %multiple_of3A_153 = tpu.assume_multiple %mul3A_152, 16 : i32
      %mul3A_154 = arith.constant 3 : i32
      %mul3A_155 = arith.muli %multiple_of3A_153, %mul3A_154 : i32
      %mul3A_156 = arith.constant 3 : i32
      %mul3A_157 = vector.broadcast %mul3A_156 : i32 to vector<16xi32>
      %mul3A_158 = arith.muli %iota3A, %mul3A_157 : vector<16xi32>
      %add3A_159 = vector.broadcast %mul3A_155 : i32 to vector<16xi32>
      %add3A_160 = arith.addi %add3A_159, %mul3A_158 : vector<16xi32>
      %gather3A_161 = tpu.vector_load_idx %arg6[%add3A_160] : memref<24576xf32, #tpu.memory_space<vmem>>[vector<16xi32>], vector<16xf32>,
      %add3A_162 = arith.constant 1 : i32
      %add3A_163 = vector.broadcast %add3A_162 : i32 to vector<16xi32>
      %add3A_164 = arith.addi %add3A_160, %add3A_163 : vector<16xi32>
      %gather3A_165 = tpu.vector_load_idx %arg6[%add3A_164] : memref<24576xf32, #tpu.memory_space<vmem>>[vector<16xi32>], vector<16xf32>,
      %add3A_166 = arith.constant 2 : i32
      %add3A_167 = vector.broadcast %add3A_166 : i32 to vector<16xi32>
      %add3A_168 = arith.addi %add3A_160, %add3A_167 : vector<16xi32>
      %gather3A_169 = tpu.vector_load_idx %arg6[%add3A_168] : memref<24576xf32, #tpu.memory_space<vmem>>[vector<16xi32>], vector<16xf32>,
      %mul3A_170 = vector.broadcast %scan3A_82 : f32 to vector<16xf32>
      %mul3A_171 = arith.mulf %gather3A_161, %mul3A_170 : vector<16xf32>
      %convert_element_type3A_172 = arith.fptosi %mul3A_171 : vector<16xf32> to vector<16xi32>
      %max3A_173 = vector.broadcast %scan3A_83 : i32 to vector<16xi32>
      %max3A_174 = arith.maxsi %max3A_173, %convert_element_type3A_172 : vector<16xi32>
      %min3A_175 = vector.broadcast %scan3A_84 : i32 to vector<16xi32>
      %min3A_176 = arith.minsi %min3A_175, %max3A_174 : vector<16xi32>
      %mul3A_177 = vector.broadcast %scan3A_82 : f32 to vector<16xf32>
      %mul3A_178 = arith.mulf %gather3A_165, %mul3A_177 : vector<16xf32>
      %convert_element_type3A_179 = arith.fptosi %mul3A_178 : vector<16xf32> to vector<16xi32>
      %max3A_180 = vector.broadcast %scan3A_83 : i32 to vector<16xi32>
      %max3A_181 = arith.maxsi %max3A_180, %convert_element_type3A_179 : vector<16xi32>
      %min3A_182 = vector.broadcast %scan3A_84 : i32 to vector<16xi32>
      %min3A_183 = arith.minsi %min3A_182, %max3A_181 : vector<16xi32>
      %mul3A_184 = vector.broadcast %scan3A_82 : f32 to vector<16xf32>
      %mul3A_185 = arith.mulf %gather3A_169, %mul3A_184 : vector<16xf32>
      %convert_element_type3A_186 = arith.fptosi %mul3A_185 : vector<16xf32> to vector<16xi32>
      %max3A_187 = vector.broadcast %scan3A_83 : i32 to vector<16xi32>
      %max3A_188 = arith.maxsi %max3A_187, %convert_element_type3A_186 : vector<16xi32>
      %min3A_189 = vector.broadcast %scan3A_84 : i32 to vector<16xi32>
      %min3A_190 = arith.minsi %min3A_189, %max3A_188 : vector<16xi32>
      %mul3A_191 = arith.constant 128 : i32
      %mul3A_192 = vector.broadcast %mul3A_191 : i32 to vector<16xi32>
      %mul3A_193 = arith.muli %min3A_190, %mul3A_192 : vector<16xi32>
      %add3A_194 = arith.addi %mul3A_193, %min3A_183 : vector<16xi32>
      %mul3A_195 = arith.constant 128 : i32
      %mul3A_196 = vector.broadcast %mul3A_195 : i32 to vector<16xi32>
      %mul3A_197 = arith.muli %add3A_194, %mul3A_196 : vector<16xi32>
      %add3A_198 = arith.addi %mul3A_197, %min3A_176 : vector<16xi32>
      %swap3A_199 = arith.index_cast %multiple_of3A_153 : i32 to index
      %swap3A_200 = tpu.vector_load %arg7[%swap3A_199] {strides = array<i32>} : memref<8192xi32, #tpu.memory_space<vmem>>, vector<16xi32>,
      tpu.vector_store %arg7[%swap3A_199], %add3A_198 {strides = array<i32>} : memref<8192xi32, #tpu.memory_space<vmem>>, vector<16xi32>,
      %scan3A_201 = arith.constant 0 : i32
      %scan3A_202 = arith.constant 2 : i32
      %scan3A_203 = arith.addi %scan3A_102, %scan3A_202 : i32
      %mul3A_204 = arith.constant 16 : i32
      %mul3A_205 = arith.muli %scan3A_203, %mul3A_204 : i32
      %multiple_of3A_206 = tpu.assume_multiple %mul3A_205, 16 : i32
      %mul3A_207 = arith.constant 3 : i32
      %mul3A_208 = arith.muli %multiple_of3A_206, %mul3A_207 : i32
      %mul3A_209 = arith.constant 3 : i32
      %mul3A_210 = vector.broadcast %mul3A_209 : i32 to vector<16xi32>
      %mul3A_211 = arith.muli %iota3A, %mul3A_210 : vector<16xi32>
      %add3A_212 = vector.broadcast %mul3A_208 : i32 to vector<16xi32>
      %add3A_213 = arith.addi %add3A_212, %mul3A_211 : vector<16xi32>
      %gather3A_214 = tpu.vector_load_idx %arg6[%add3A_213] : memref<24576xf32, #tpu.memory_space<vmem>>[vector<16xi32>], vector<16xf32>,
      %add3A_215 = arith.constant 1 : i32
      %add3A_216 = vector.broadcast %add3A_215 : i32 to vector<16xi32>
      %add3A_217 = arith.addi %add3A_213, %add3A_216 : vector<16xi32>
      %gather3A_218 = tpu.vector_load_idx %arg6[%add3A_217] : memref<24576xf32, #tpu.memory_space<vmem>>[vector<16xi32>], vector<16xf32>,
      %add3A_219 = arith.constant 2 : i32
      %add3A_220 = vector.broadcast %add3A_219 : i32 to vector<16xi32>
      %add3A_221 = arith.addi %add3A_213, %add3A_220 : vector<16xi32>
      %gather3A_222 = tpu.vector_load_idx %arg6[%add3A_221] : memref<24576xf32, #tpu.memory_space<vmem>>[vector<16xi32>], vector<16xf32>,
      %mul3A_223 = vector.broadcast %scan3A_82 : f32 to vector<16xf32>
      %mul3A_224 = arith.mulf %gather3A_214, %mul3A_223 : vector<16xf32>
      %convert_element_type3A_225 = arith.fptosi %mul3A_224 : vector<16xf32> to vector<16xi32>
      %max3A_226 = vector.broadcast %scan3A_83 : i32 to vector<16xi32>
      %max3A_227 = arith.maxsi %max3A_226, %convert_element_type3A_225 : vector<16xi32>
      %min3A_228 = vector.broadcast %scan3A_84 : i32 to vector<16xi32>
      %min3A_229 = arith.minsi %min3A_228, %max3A_227 : vector<16xi32>
      %mul3A_230 = vector.broadcast %scan3A_82 : f32 to vector<16xf32>
      %mul3A_231 = arith.mulf %gather3A_218, %mul3A_230 : vector<16xf32>
      %convert_element_type3A_232 = arith.fptosi %mul3A_231 : vector<16xf32> to vector<16xi32>
      %max3A_233 = vector.broadcast %scan3A_83 : i32 to vector<16xi32>
      %max3A_234 = arith.maxsi %max3A_233, %convert_element_type3A_232 : vector<16xi32>
      %min3A_235 = vector.broadcast %scan3A_84 : i32 to vector<16xi32>
      %min3A_236 = arith.minsi %min3A_235, %max3A_234 : vector<16xi32>
      %mul3A_237 = vector.broadcast %scan3A_82 : f32 to vector<16xf32>
      %mul3A_238 = arith.mulf %gather3A_222, %mul3A_237 : vector<16xf32>
      %convert_element_type3A_239 = arith.fptosi %mul3A_238 : vector<16xf32> to vector<16xi32>
      %max3A_240 = vector.broadcast %scan3A_83 : i32 to vector<16xi32>
      %max3A_241 = arith.maxsi %max3A_240, %convert_element_type3A_239 : vector<16xi32>
      %min3A_242 = vector.broadcast %scan3A_84 : i32 to vector<16xi32>
      %min3A_243 = arith.minsi %min3A_242, %max3A_241 : vector<16xi32>
      %mul3A_244 = arith.constant 128 : i32
      %mul3A_245 = vector.broadcast %mul3A_244 : i32 to vector<16xi32>
      %mul3A_246 = arith.muli %min3A_243, %mul3A_245 : vector<16xi32>
      %add3A_247 = arith.addi %mul3A_246, %min3A_236 : vector<16xi32>
      %mul3A_248 = arith.constant 128 : i32
      %mul3A_249 = vector.broadcast %mul3A_248 : i32 to vector<16xi32>
      %mul3A_250 = arith.muli %add3A_247, %mul3A_249 : vector<16xi32>
      %add3A_251 = arith.addi %mul3A_250, %min3A_229 : vector<16xi32>
      %swap3A_252 = arith.index_cast %multiple_of3A_206 : i32 to index
      %swap3A_253 = tpu.vector_load %arg7[%swap3A_252] {strides = array<i32>} : memref<8192xi32, #tpu.memory_space<vmem>>, vector<16xi32>,
      tpu.vector_store %arg7[%swap3A_252], %add3A_251 {strides = array<i32>} : memref<8192xi32, #tpu.memory_space<vmem>>, vector<16xi32>,
      %scan3A_254 = arith.constant 0 : i32
      %scan3A_255 = arith.constant 3 : i32
      %scan3A_256 = arith.addi %scan3A_102, %scan3A_255 : i32
      %mul3A_257 = arith.constant 16 : i32
      %mul3A_258 = arith.muli %scan3A_256, %mul3A_257 : i32
      %multiple_of3A_259 = tpu.assume_multiple %mul3A_258, 16 : i32
      %mul3A_260 = arith.constant 3 : i32
      %mul3A_261 = arith.muli %multiple_of3A_259, %mul3A_260 : i32
      %mul3A_262 = arith.constant 3 : i32
      %mul3A_263 = vector.broadcast %mul3A_262 : i32 to vector<16xi32>
      %mul3A_264 = arith.muli %iota3A, %mul3A_263 : vector<16xi32>
      %add3A_265 = vector.broadcast %mul3A_261 : i32 to vector<16xi32>
      %add3A_266 = arith.addi %add3A_265, %mul3A_264 : vector<16xi32>
      %gather3A_267 = tpu.vector_load_idx %arg6[%add3A_266] : memref<24576xf32, #tpu.memory_space<vmem>>[vector<16xi32>], vector<16xf32>,
      %add3A_268 = arith.constant 1 : i32
      %add3A_269 = vector.broadcast %add3A_268 : i32 to vector<16xi32>
      %add3A_270 = arith.addi %add3A_266, %add3A_269 : vector<16xi32>
      %gather3A_271 = tpu.vector_load_idx %arg6[%add3A_270] : memref<24576xf32, #tpu.memory_space<vmem>>[vector<16xi32>], vector<16xf32>,
      %add3A_272 = arith.constant 2 : i32
      %add3A_273 = vector.broadcast %add3A_272 : i32 to vector<16xi32>
      %add3A_274 = arith.addi %add3A_266, %add3A_273 : vector<16xi32>
      %gather3A_275 = tpu.vector_load_idx %arg6[%add3A_274] : memref<24576xf32, #tpu.memory_space<vmem>>[vector<16xi32>], vector<16xf32>,
      %mul3A_276 = vector.broadcast %scan3A_82 : f32 to vector<16xf32>
      %mul3A_277 = arith.mulf %gather3A_267, %mul3A_276 : vector<16xf32>
      %convert_element_type3A_278 = arith.fptosi %mul3A_277 : vector<16xf32> to vector<16xi32>
      %max3A_279 = vector.broadcast %scan3A_83 : i32 to vector<16xi32>
      %max3A_280 = arith.maxsi %max3A_279, %convert_element_type3A_278 : vector<16xi32>
      %min3A_281 = vector.broadcast %scan3A_84 : i32 to vector<16xi32>
      %min3A_282 = arith.minsi %min3A_281, %max3A_280 : vector<16xi32>
      %mul3A_283 = vector.broadcast %scan3A_82 : f32 to vector<16xf32>
      %mul3A_284 = arith.mulf %gather3A_271, %mul3A_283 : vector<16xf32>
      %convert_element_type3A_285 = arith.fptosi %mul3A_284 : vector<16xf32> to vector<16xi32>
      %max3A_286 = vector.broadcast %scan3A_83 : i32 to vector<16xi32>
      %max3A_287 = arith.maxsi %max3A_286, %convert_element_type3A_285 : vector<16xi32>
      %min3A_288 = vector.broadcast %scan3A_84 : i32 to vector<16xi32>
      %min3A_289 = arith.minsi %min3A_288, %max3A_287 : vector<16xi32>
      %mul3A_290 = vector.broadcast %scan3A_82 : f32 to vector<16xf32>
      %mul3A_291 = arith.mulf %gather3A_275, %mul3A_290 : vector<16xf32>
      %convert_element_type3A_292 = arith.fptosi %mul3A_291 : vector<16xf32> to vector<16xi32>
      %max3A_293 = vector.broadcast %scan3A_83 : i32 to vector<16xi32>
      %max3A_294 = arith.maxsi %max3A_293, %convert_element_type3A_292 : vector<16xi32>
      %min3A_295 = vector.broadcast %scan3A_84 : i32 to vector<16xi32>
      %min3A_296 = arith.minsi %min3A_295, %max3A_294 : vector<16xi32>
      %mul3A_297 = arith.constant 128 : i32
      %mul3A_298 = vector.broadcast %mul3A_297 : i32 to vector<16xi32>
      %mul3A_299 = arith.muli %min3A_296, %mul3A_298 : vector<16xi32>
      %add3A_300 = arith.addi %mul3A_299, %min3A_289 : vector<16xi32>
      %mul3A_301 = arith.constant 128 : i32
      %mul3A_302 = vector.broadcast %mul3A_301 : i32 to vector<16xi32>
      %mul3A_303 = arith.muli %add3A_300, %mul3A_302 : vector<16xi32>
      %add3A_304 = arith.addi %mul3A_303, %min3A_282 : vector<16xi32>
      %swap3A_305 = arith.index_cast %multiple_of3A_259 : i32 to index
      %swap3A_306 = tpu.vector_load %arg7[%swap3A_305] {strides = array<i32>} : memref<8192xi32, #tpu.memory_space<vmem>>, vector<16xi32>,
      tpu.vector_store %arg7[%swap3A_305], %add3A_304 {strides = array<i32>} : memref<8192xi32, #tpu.memory_space<vmem>>, vector<16xi32>,
      %scan3A_307 = arith.constant 0 : i32
      scf.yield %scan3A_307 : i32
    }
    %scan3A_91 = arith.constant 512 : i32
    %dma_start3A_92 = arith.constant 0 : i32
    %dma_start3A_93 = tpu.memref_slice %arg3[%dma_start3A_92] : memref<2097152xi32, #tpu.memory_space<hbm>> -> memref<2097152xi32, #tpu.memory_space<hbm>>
    tpu.enqueue_indirect_dma source(%dma_start3A_93 : memref<2097152xi32, #tpu.memory_space<hbm>>) target(%arg8 : memref<8192xi32, #tpu.memory_space<vmem>>) offsets(%arg7 : memref<8192xi32, #tpu.memory_space<vmem>>) semaphore(%arg10 : memref<!tpu.dma_semaphore, #tpu.memory_space<semaphore_mem>>)
    %dma_wait3A_94 = arith.constant 0 : i32
    %dma_wait3A_95 = tpu.memref_slice %arg3[%dma_wait3A_94] : memref<2097152xi32, #tpu.memory_space<hbm>> -> memref<2097152xi32, #tpu.memory_space<hbm>>
    tpu.wait_indirect_dma semaphore(%arg10 : memref<!tpu.dma_semaphore, #tpu.memory_space<semaphore_mem>>) src(%dma_wait3A_95 : memref<2097152xi32, #tpu.memory_space<hbm>>) dst(%arg8 : memref<8192xi32, #tpu.memory_space<vmem>>)
    %dma_start3A_96 = arith.constant 0 : i32
    %dma_start3A_97 = arith.constant 0 : i32
    %dma_start3A_98 = tpu.memref_slice %arg4[%dma_start3A_96, %dma_start3A_97] : memref<629791x3xf32, #tpu.memory_space<hbm>> -> memref<629791x3xf32, #tpu.memory_space<hbm>>
    tpu.enqueue_indirect_dma source(%dma_start3A_98 : memref<629791x3xf32, #tpu.memory_space<hbm>>) target(%arg9 : memref<8192x3xf32, #tpu.memory_space<vmem>>) offsets(%arg8 : memref<8192xi32, #tpu.memory_space<vmem>>) semaphore(%arg11 : memref<!tpu.dma_semaphore, #tpu.memory_space<semaphore_mem>>)
    %dma_wait3A_99 = arith.constant 0 : i32
    %dma_wait3A_100 = arith.constant 0 : i32
    %dma_wait3A_101 = tpu.memref_slice %arg4[%dma_wait3A_99, %dma_wait3A_100] : memref<629791x3xf32, #tpu.memory_space<hbm>> -> memref<629791x3xf32, #tpu.memory_space<hbm>>
    tpu.wait_indirect_dma semaphore(%arg11 : memref<!tpu.dma_semaphore, #tpu.memory_space<semaphore_mem>>) src(%dma_wait3A_101 : memref<629791x3xf32, #tpu.memory_space<hbm>>) dst(%arg9 : memref<8192x3xf32, #tpu.memory_space<vmem>>)
    "tpu.region"() ({
      %run_scoped3A = tpu.sem_alloc : memref<!tpu.dma_semaphore, #tpu.memory_space<semaphore_mem>>
      %dma_start3A_102 = arith.constant 0 : i32
      %dma_start3A_103 = tpu.memref_slice %arg5[%add3A_79, %dma_start3A_102] : memref<1048576x3xf32, #tpu.memory_space<hbm>> -> memref<8192x3xf32, #tpu.memory_space<hbm>>
      %dma_start3A_104 = arith.constant 0 : i32
      %dma_start3A_105 = tpu.memref_slice %arg5[%add3A_79, %dma_start3A_104] : memref<1048576x3xf32, #tpu.memory_space<hbm>> -> memref<8192x3xf32, #tpu.memory_space<hbm>>
      tpu.enqueue_dma source(%arg9 : memref<8192x3xf32, #tpu.memory_space<vmem>>) target(%dma_start3A_105 : memref<8192x3xf32, #tpu.memory_space<hbm>>) target_semaphore(%run_scoped3A : memref<!tpu.dma_semaphore, #tpu.memory_space<semaphore_mem>>)
      %dma_wait3A_106 = arith.constant 0 : i32
      %dma_wait3A_107 = tpu.memref_slice %arg5[%add3A_79, %dma_wait3A_106] : memref<1048576x3xf32, #tpu.memory_space<hbm>> -> memref<8192x3xf32, #tpu.memory_space<hbm>>
      %dma_wait3A_108 = arith.constant 0 : i32
      %dma_wait3A_109 = tpu.memref_slice %arg5[%add3A_79, %dma_wait3A_108] : memref<1048576x3xf32, #tpu.memory_space<hbm>> -> memref<8192x3xf32, #tpu.memory_space<hbm>>
      tpu.wait_dma2 semaphore(%run_scoped3A : memref<!tpu.dma_semaphore, #tpu.memory_space<semaphore_mem>>) src(%arg9 : memref<8192x3xf32, #tpu.memory_space<vmem>>) dst(%dma_wait3A_109 : memref<8192x3xf32, #tpu.memory_space<hbm>>)
      tpu.yield
    }) : () -> ()
    return
  }
}

</mosaic_0001>

<sc_bundles>
// kernel: _voxel_slf.3.cloned.1.call-start
scs
__scs_entry_jumppad:
0x0: {  	(pc) =	sbr.rel $0x88, $3  }
0x1: {  	(tag) =	ssettag $0x0;
	lr =	simm.s32 $0x1  }
0x2: {  	[smem:$0x3F9E] =	sst lr;
	_ =	strace $0xD0000000  }
0x3: {  	_ = 	snop  }
0x4: {  	_ = 	snop  }
0x5: {  	_ = 	snop  }
0x6: {  	_ = 	snop  }
0x7: {  	_ = 	snop  }
__scs_overlays_trampoline_lowered:
0x8: {  	[smem:$0x3FAD] =	sst s0  }
0x9: {  	[smem:$0x3FAE] =	sst s1  }
0xa: {  	[smem:$0x3FAF] =	sst s2  }
0xb: {  	[smem:$0x3FB0] =	sst s3  }
0xc: {  	[smem:$0x3FB1] =	sst s4  }
0xd: {  	[smem:$0x3FB2] =	sst s5  }
0xe: {  	[smem:$0x3FB3] =	sst s6  }
0xf: {  	[smem:$0x3FB4] =	sst s7  }
0x10: {  	[smem:$0x3FB5] =	sst s8  }
0x11: {  	[smem:$0x3FB6] =	sst s9;
	s0 =	simm.s32 @!p0 $0x0  }
0x12: {  	s1 =	sld [smem:$0x3F9C];
	s0 =	simm.s32 @p0 $0x1  }
0x13: {  	[smem:$0x3FB7] =	sst s0;
	s0 =	simm.s32 @!p1 $0x0  }
0x14: {  	s2 =	sld [smem:$0x3F9B];
	s0 =	simm.s32 @p1 $0x1  }
0x15: {  	[smem:$0x3FB8] =	sst s0;
	s0 =	simm.s32 @!p2 $0x0  }
0x16: {  	s3 =	sld [smem:$0x3FDB];
	s0 =	simm.s32 @p2 $0x1  }
0x17: {  	s4 =	simm.s32 $0x1BF5;
	[smem:$0x3FBA] =	sst s0  }
0x18: {  	s0 =	sld [smem:$0x3F9D];
	_ =	swait.ge [sflag:s4], $0x0  }
0x19: {  	s7 =	sld [smem:$0x3F9E]  }
0x1a: {  	s8 =	sadd.s32 $0xFFFFE003, lr  }
0x1b: {  	s9 =	sadd.s32 $0xFFFFFEF7, lr;
	s5 =	simm.s32 $0xFFFFFFFF;
	p2 =	slt.u32 s8, $0xFFFFF086  }
0x1c: {  	p1 =	slt.u32 s9, $0xF7A;
	s5 =	simm.s32 @!p2 $0x0  }
0x1d: {  	s5 =	simm.s32 @p1 $0x1;
	p0 =	seq.s32 s7, s2  }
0x1e: {  	s7 =	smul.u32 @!p0 $0xF7A, s2;
	p2 =	seq.s32 @!p0 s5, $0x0  }
0x1f: {  	s9 =	smul.u32 $0xF7A, s1;
	s8 =	simm.s32 @!p0 $0x1BF5;
	p2 =	por !p2, p0  }
0x20: {  	[sflag:s8] =	ssyncset.s32 @!p0 $0xFFFFF086;
	s6 =	sadd.s32 @!p0 s3, s7;
	s7 =	simm.s32 @!p0 $0x108  }
0x21: {  	s3 =	sadd.s32 s3, s9;
	s6 =	sadd.s32 @!p0 $0x88, s6;
	s7 =	simm.s32 @p2 $0x1082  }
0x22: {  	[simem:s7], [sflag:s8] =	dma.local @!p0 [hbm:s6], $0xF7A  }
0x23: {  	s9 =	sor.u32 $0xD0000000, s2;
	s6 =	simm.s32 $0x108;
	_ =	swait.ge @!p0 [sflag:s8], $0x0  }
0x24: {  	s3 =	sadd.s32 $0x88, s3;
	s6 =	simm.s32 @!p1 $0x1082;
	[sflag:s4] =	ssyncset.s32 $0xFFFFF086  }
0x25: {  	[simem:s6], [sflag:s4] =	dma.local [hbm:s3], $0xF7A  }
0x26: {  	[smem:$0x3F9E] =	sst s1;
	(tag) =	ssettag s2;
	_ =	strace s9  }
0x27: {  	s1 =	sld [smem:$0x3FAE]  }
0x28: {  	s2 =	sld [smem:$0x3FAF]  }
0x29: {  	s4 =	sld [smem:$0x3FB1]  }
0x2a: {  	p0 =	seq.s32 s5, $0x0;
	s5 =	sld [smem:$0x3FB2]  }
0x2b: {  	s6 =	sld [smem:$0x3FB3]  }
0x2c: {  	s7 =	sld [smem:$0x3FB4]  }
0x2d: {  	s3 =	simm.s32 $0x108;
	s8 =	sld [smem:$0x3FB5]  }
0x2e: {  	s3 =	simm.s32 @!p0 $0x1082;
	s9 =	sld [smem:$0x3FB6]  }
0x2f: {  	lr =	sadd.s32 s0, s3;
	s0 =	sld [smem:$0x3FAD]  }
0x30: {  	s3 =	sld [smem:$0x3FB0]  }
0x31: {  	[smem:$0x3FB9] =	sst s10  }
0x32: {  	s10 =	sld [smem:$0x3FB7];
	_ =	sdelay $0x3  }
0x33: {  	p0 =	seq.s32 s10, $0x1;
	s10 =	sld [smem:$0x3FB9];
	_ =	sdelay $0x3  }
0x34: {  	[smem:$0x3FB9] =	sst s10  }
0x35: {  	s10 =	sld [smem:$0x3FB8];
	_ =	sdelay $0x3  }
0x36: {  	p1 =	seq.s32 s10, $0x1;
	s10 =	sld [smem:$0x3FB9];
	_ =	sdelay $0x3  }
0x37: {  	[smem:$0x3FB9] =	sst s10  }
0x38: {  	s10 =	sld [smem:$0x3FBA]  }
0x39: {  	_ = 	snop;
	(pc) =	sbr.ind lr, $3  }
0x3a: {  	_ = 	snop  }
0x3b: {  	_ = 	snop  }
0x3c: {  	p2 =	seq.s32 s10, $0x1;
	s10 =	sld [smem:$0x3FB9]  }
0x3d: {  	_ =	shalt  }
0x3e: {  	_ =	shalt  }
0x3f: {  	_ =	shalt  }
0x40: {  	_ =	shalt  }
0x41: {  	_ =	shalt  }
0x42: {  	_ =	shalt  }
0x43: {  	_ =	shalt  }
0x44: {  	_ =	shalt  }
0x45: {  	_ =	shalt  }
0x46: {  	_ =	shalt  }
0x47: {  	_ =	shalt  }
0x48: {  	_ =	shalt  }
0x49: {  	_ =	shalt  }
0x4a: {  	_ =	shalt  }
0x4b: {  	_ =	shalt  }
0x4c: {  	_ =	shalt  }
0x4d: {  	_ =	shalt  }
0x4e: {  	_ =	shalt  }
0x4f: {  	_ =	shalt  }
0x50: {  	_ =	shalt  }
0x51: {  	_ =	shalt  }
0x52: {  	_ =	shalt  }
0x53: {  	_ =	shalt  }
0x54: {  	_ =	shalt  }
0x55: {  	_ =	shalt  }
0x56: {  	_ =	shalt  }
0x57: {  	_ =	shalt  }
0x58: {  	_ =	shalt  }
0x59: {  	_ =	shalt  }
0x5a: {  	_ =	shalt  }
0x5b: {  	_ =	shalt  }
0x5c: {  	_ =	shalt  }
0x5d: {  	_ =	shalt  }
0x5e: {  	_ =	shalt  }
0x5f: {  	_ =	shalt  }
0x60: {  	_ =	shalt  }
0x61: {  	_ =	shalt  }
0x62: {  	_ =	shalt  }
0x63: {  	_ =	shalt  }
0x64: {  	_ =	shalt  }
0x65: {  	_ =	shalt  }
0x66: {  	_ =	shalt  }
0x67: {  	_ =	shalt  }
0x68: {  	_ =	shalt  }
0x69: {  	_ =	shalt  }
0x6a: {  	_ =	shalt  }
0x6b: {  	_ =	shalt  }
0x6c: {  	_ =	shalt  }
0x6d: {  	_ =	shalt  }
0x6e: {  	_ =	shalt  }
0x6f: {  	_ =	shalt  }
0x70: {  	_ =	shalt  }
0x71: {  	_ =	shalt  }
0x72: {  	_ =	shalt  }
0x73: {  	_ =	shalt  }
0x74: {  	_ =	shalt  }
0x75: {  	_ =	shalt  }
0x76: {  	_ =	shalt  }
0x77: {  	_ =	shalt  }
0x78: {  	_ =	shalt  }
0x79: {  	_ =	shalt  }
0x7a: {  	_ =	shalt  }
0x7b: {  	_ =	shalt  }
0x7c: {  	_ =	shalt  }
0x7d: {  	_ =	shalt  }
0x7e: {  	_ =	shalt  }
0x7f: {  	_ =	shalt  }
0x80: {  	_ =	shalt  }
0x81: {  	_ =	shalt  }
0x82: {  	_ =	shalt  }
0x83: {  	_ =	shalt  }
0x84: {  	_ =	shalt  }
0x85: {  	_ =	shalt  }
0x86: {  	_ =	shalt  }
0x87: {  	_ =	shalt  }
.Lfunc_end0:
.L_simem_size_0:
called_computation_lowered:
.L_overlay_start_0:
0x88: {  	s2 =	sld [smem:$0x3FD9]  }
0x89: {  	s3 =	sld [smem:$0x3FFE];
	_ =	sdelay $0x1  }
0x8a: {  	s1 =	srdreg.scid  }
0x8b: {  	s0 =	sand.u32 $0x1, s1  }
0x8c: {  	s17 =	sshll.u32 s0, $0xA;
	s2 =	sadd.s32 s3, s2  }
0x8d: {  	s2 =	sadd.s32 s2, s17  }
0x8e: {  	[smem:$0x3FC5] =	sst s2  }
0x8f: {  	_ = 	snop  }
0x90: {  	s2 =	sld [smem:$0x3FC9]  }
0x91: {  	s18 =	sld [smem:$0x3FC8];
	(tm) =	ssettm $0x1  }
0x92: {  	s4 =	sld [smem:$0x3FFB];
	_ =	sdelay $0x3  }
0x93: {  	_ =	strace s4  }
0x94: {  	s4 =	sld [smem:$0x3FFC];
	_ =	sdelay $0x3  }
0x95: {  	_ =	strace s4  }
0x96: {  	s4 =	sld [smem:$0x3FFD];
	_ =	sdelay $0x3  }
0x97: {  	_ =	strace s4  }
0x98: {  	_ =	strace $0x8FFFFFFF  }
0x99: {  	s19 =	sld [smem:$0x3FDB];
	_ =	sdelay $0x1  }
0x9a: {  	s5 =	simm.s32 $_scs_section_size  }
0x9b: {  	s6 =	simm.s32 $_size__tile_overlayer_lowered;
	s7 =	simm.s32 $_tile_overlayer_lowered  }
0x9c: {  	s22 =	simm.s32 $0x1BFF;
	s21 =	sshll.u32 s7, $0x1;
	s4 =	sadd.s32 s5, s19  }
0x9d: {  	s8 =	simm.s32 $0x0;
	s20 =	sshll.u32 s6, $0x1;
	s6 =	sadd.s32 s21, s4  }
0x9e: {  	[timem:s8], [sflag:s22] =	dma.local [hbm:s6], s20  }
0x9f: {  	_ =	swait.ge [sflag:s22], s20  }
0xa0: {  	s5 =	ssub.s32 $0x0, s20;
	[sflag:s22] =	ssyncset.done $0x0  }
0xa1: {  	[sflag:s22] =	ssyncadd.s32 s5;
	_ =	sdelay $0x1  }
0xa2: {  	s23 =	simm.s32 $0x1B8B  }
0xa3: {  	_ =	swait.ge [sflag:s23], $0x1  }
0xa4: {  	[sflag:s23] =	ssyncset.done $0x0  }
0xa5: {  	s25 =	simm.s32 $0x1B8E;
	s24 =	sld [smem:$0x3FFE];
	[sflag:s23] =	ssyncadd.s32 $0xFFFFFFFF  }
0xa6: {  	s26 =	simm.s32 $execute0_lowered;
	[smem:$0x3FD2] =	sst s25  }
0xa7: {  	s6 =	sshll.u32 s26, $0x1;
	_ =	strace $0x80000046;
	[dreg:$0x1] =	wrdreg $0xFFFFFFFF  }
0xa8: {  	s28 =	simm.s32 $_size_execute0_lowered;
	s4 =	sadd.s32 s4, s6;
	[dreg:$0x0] =	wrdreg $0x0  }
0xa9: {  	s6 =	sshll.u32 s28, $0x1;
	[dreg:$0x2] =	wrdreg s4  }
0xaa: {  	[dreg:$0x3] =	wrdreg s6  }
0xab: {  	[dreg:$0x4] =	wrdreg $0xC0  }
0xac: {  	_ =	task [dreg:s8], $0x5FFFF  }
0xad: {  	[dreg:$0x1] =	wrdreg $0xFFFFFFFF  }
0xae: {  	[dreg:$0x0] =	wrdreg $0x60  }
0xaf: {  	[dreg:$0x2] =	wrdreg s2  }
0xb0: {  	[dreg:$0x3] =	wrdreg s18  }
0xb1: {  	[dreg:$0x4] =	wrdreg s24  }
0xb2: {  	[dreg:$0x5] =	wrdreg $0x9  }
0xb3: {  	_ =	task.clear_ibuf [dreg:s8], $0x6FFFF;
	_ =	strace $0x90000046  }
0xb4: {  	s29 =	simm.s32 $0x9;
	_ =	strace $0x80000048  }
0xb5: {  	_ =	swait.ge [sflag:s29], $0x1  }
0xb6: {  	[sflag:s29] =	ssyncadd.s32 $0xFFFFFFFF  }
0xb7: {  	_ =	strace $0x90000048  }
0xb8: {  	_ =	sfence  }
0xb9: {  	s30 =	sld [smem:$0x0];
	_ =	sdelay $0x2  }
0xba: {  	s31 =	sshll.u32 s1, $0xD;
	s1 =	sshrl.u32 s1, $0x2  }
0xbb: {  	s3 =	sand.u32 $0x4000, s31;
	s1 =	sadd.s32 s1, s30  }
0xbc: {  	s0 =	sor.u32 s3, s0;
	s1 =	sshll.u32 s1, $0x11  }
0xbd: {  	s0 =	sor.u32 s1, s0  }
0xbe: {  	s0 =	sadd.s32 $0x8F2B, s0  }
0xbf: {  	[sflag:s0] =	ssyncadd.remote.s32 $0x1  }
0xc0: {  	_ =	sfence.sel $0xFFFF  }
0xc1: {  	[dreg:$0x0] =	wrdreg $0xFFFFFFFF;
	(pc) =	sbr.abs _section_cstart, $3  }
0xc2: {  	[dreg:$0x1] =	wrdreg $0xFFFFFFFF  }
0xc3: {  	_ =	task.clear_ibuf [dreg:s8], $0x2FFFF;
	_ =	strace $0x9FFFFFFF  }
0xc4: {  	(tm) =	ssettm $0x7FFFFFFF  }
0xc5: {  	_ =	shalt  }
tec
execute0_lowered:
.L_overlay_start_1:
0x0: {  	(tag) =	ssettag $0x1  }
0x1: {  	s11 =	rddreg [dreg:$0x0]  }
0x2: {  	s1 =	rddreg [dreg:$0x1]  }
0x3: {  	s5 =	rddreg [dreg:$0x2]  }
0x4: {  	s0 =	rddreg [dreg:$0x3];
	s3 =	simm.s32 $0x0;
	s4 =	srdreg.scid  }
0x5: {  	s2 =	stileid.u32;
	s17 =	simm.s32 $0x8000;
	s18 =	simm.s32 $0x1  }
0x6: {  	s19 =	simm.s32 $0xA000;
	s6 =	sand.u32 $0x1, s4;
	s24 =	sshll.u32 s2, $0x1  }
0x7: {  	s20 =	simm.s32 $0x2;
	s21 =	simm.s32 $0x0;
	s7 =	sor.u32 s6, s24  }
0x8: {  	[smem:$0x7FF] =	sst s3;
	s4 =	sadd.s32 $0x400, s5;
	s8 =	sshll.u32 s7, $0xF  }
0x9: {  	s12 =	sadd.s32 $0x9A200, s5;
	s26 =	smul.u32 $0x3000, s7;
	s9 =	sor.u32 $0x2000, s8  }
0xa: {  	s25 =	ssub.s32 $0x2, s6;
	s13 =	sor.u32 $0x4000, s8;
	s10 =	smul.u32 $0x3, s9  }
0xb: {  	s28 =	sshrl.u32 s25, $0x1;
	s16 =	sor.u32 $0x6000, s8;
	s15 =	smul.u32 $0x3, s13  }
0xc: {  	v0 =	vlaneseq.u32;
	_ =	strace $0x80000047;
	s14 =	ssub.s32 s25, s28;
	s30 =	smul.u32 $0x3, s16  }
0xd: {  	v1 =	vimm.s32 $0xDAFC9EB8;
	v2 =	vimm.s32 $0x52741630;
	v3 =	vimm.s32 $0x63052741;
	s6 =	sadd.s32 s12, s8;
	s5 =	sadd.s32 s11, s26;
	s8 =	sadd.s32 s12, s9  }
0xe: {  	v4 =	vimm.s32 $0x74163052;
	v0 =	vmul.u32 $0x3, v0;
	v1 =	vunpack.c.l.s4.s8 v1;
	s29 =	sshrl.u32 s10, $0x3;
	s15 =	sshrl.u32 s15, $0x3;
	s31 =	sshrl.u32 s30, $0x3  }
0xf: {  	v5 =	vunpack.c.l.s4.s8 v2;
	v6 =	vunpack.c.l.s4.s8 v3;
	v7 =	vunpack.c.l.s4.s8 v4;
	s10 =	sadd.s32 s12, s13;
	s12 =	sadd.s32 s12, s16;
	s13 =	smax.u32 s14, $0x1  }
0x10: {  	v1 =	vunpack.c.0.s8.s32 v1;
	v2 =	vadd.s32 $0x1, v0;
	v3 =	vadd.s32 $0x2, v0;
	s14 =	simm.s32 $0x3;
	s16 =	simm.s32 $0x6000;
	s7 =	sadd.s32 s11, s29  }
0x11: {  	v4 =	vunpack.c.0.s8.s32 v5;
	v5 =	vunpack.c.0.s8.s32 v6;
	v6 =	vunpack.c.0.s8.s32 v7;
	s9 =	sadd.s32 s11, s15;
	s11 =	sadd.s32 s11, s31;
	s15 =	simm.s32 $0x2000  }
.LBB2_1:
0x12: {  	v7 =	vor.u32 s3, v3  }
0x13: {  	[tilespmem:s3], [sflag:$0x3] =	stream.linear.gather [hbm4b:s5+s3], $0x6000, $0x38;
	v8 =	vor.u32 s3, v2;
	v9 =	vor.u32 s3, v0;
	[tilespmem:$0x1A000] =	vst v63  }
0x14: {  	_ =	swait.ge [sflag:s14], $0x6000;
	v9 =	vand.u32 v1, v9  }
0x15: {  	[sflag:s14] =	ssyncset.done $0x0  }
0x16: {  	[sflag:s14] =	ssyncadd.s32 $0xFFFFA000  }
0x17: {  	v7 =	vld.idx.msk [tilespmem:v7+s3+$0x0], $0xffff  }
0x18: {  	v8 =	vld.idx.msk [tilespmem:v8+s3+$0x0], $0xffff  }
0x19: {  	s22 =	simm.s32 $0x60;
	v9 =	vld.idx.msk [tilespmem:v9+s3+$0x0], $0xffff  }
0x1a: {  	s28 =	simm.s32 $0x30;
	s30 =	simm.s32 $0x150;
	v10 =	vadd.s32 s22, v0;
	v11 =	vadd.s32 s22, v2  }
0x1b: {  	s31 =	simm.s32 $0xF0;
	v12 =	vadd.s32 s22, v3;
	v13 =	vadd.s32 s28, v2;
	v25 =	vadd.s32 s30, v0  }
0x1c: {  	v26 =	vadd.s32 s31, v3;
	v10 =	vand.u32 $0x7FFFFFF8, v10;
	v24 =	vand.u32 $0x7FFFFFF8, v12  }
0x1d: {  	v12 =	vadd.s32 s28, v0;
	v8 =	vmul.f32 $1.280000000e+02, v8;
	v7 =	vmul.f32 $1.280000000e+02, v7  }
0x1e: {  	v13 =	vand.u32 $0x7FFFFFF8, v13;
	v17 =	vor.u32 v4, v10;
	v9 =	vmul.f32 $1.280000000e+02, v9  }
0x1f: {  	v10 =	vadd.s32 s28, v3;
	v8 =	vtrunc.f32 v8;
	v7 =	vtrunc.f32 v7  }
0x20: {  	v15 =	vor.u32 v5, v13;
	v8 =	vcvt.f32.s32 v8;
	v7 =	vcvt.f32.s32 v7  }
0x21: {  	v12 =	vand.u32 $0x7FFFFFF8, v12;
	v10 =	vand.u32 $0x7FFFFFF8, v10;
	v9 =	vtrunc.f32 v9  }
0x22: {  	v9 =	vcvt.f32.s32 v9;
	vm0 =	vgt.s32 v8, $0x0;
	vm1 =	vgt.s32 v7, $0x0  }
0x23: {  	v10 =	vor.u32 v6, v10;
	v8 =	vnsel vm0, $0x0, v8;
	v7 =	vnsel vm1, $0x0, v7  }
0x24: {  	vm12 =	vgt.s32 v9, $0x0;
	v8 =	vmin.u32 v8, $0x7F;
	v7 =	vmin.u32 v7, $0x7F  }
0x25: {  	v9 =	vnsel vm12, $0x0, v9;
	v7 =	vshll.u32 v7, $0xE;
	v8 =	vshll.u32 v8, $0x7  }
0x26: {  	v9 =	vmin.u32 v9, $0x7F;
	v7 =	vor.u32 v8, v7;
	v8 =	vor.u32 v4, v12  }
0x27: {  	s24 =	simm.s32 $0x90;
	s23 =	simm.s32 $0x6020;
	v27 =	vadd.s32 s31, v2;
	v23 =	vand.u32 $0x7FFFFFF8, v11;
	v7 =	vor.u32 v9, v7  }
0x28: {  	v11 =	vadd.s32 s24, v2;
	v26 =	vand.u32 $0x7FFFFFF8, v26;
	v13 =	vadd.s32 s24, v0;
	[tilespmem:s23+$0xFFFFFFE0] =	vst v7  }
0x29: {  	v22 =	vand.u32 $0x7FFFFFF8, v11;
	v20 =	vand.u32 $0x7FFFFFF8, v13;
	v12 =	vadd.s32 s24, v3;
	s24 =	simm.s32 $0xC0;
	v16 =	vld.idx.msk [tilespmem:v10+s3+$0x0], $0xffff  }
0x2a: {  	s29 =	simm.s32 $0x120;
	v21 =	vand.u32 $0x7FFFFFF8, v12;
	v13 =	vor.u32 s24, v2;
	v14 =	vor.u32 s24, v3;
	v15 =	vld.idx.msk [tilespmem:v15+s3+$0x0], $0xffff  }
0x2b: {  	v9 =	vadd.s32 s29, v2;
	v18 =	vor.u32 s24, v0;
	v7 =	vadd.s32 s29, v0;
	v19 =	vld.idx.msk [tilespmem:v8+s3+$0x0], $0xffff  }
0x2c: {  	v12 =	vand.u32 $0x7FFFFFF8, v9;
	v10 =	vadd.s32 s29, v3;
	v7 =	vand.u32 $0x7FFFFFF8, v7  }
0x2d: {  	v18 =	vand.u32 v1, v18;
	v11 =	vand.u32 $0x7FFFFFF8, v10;
	v10 =	vor.u32 v4, v7  }
0x2e: {  	v7 =	vadd.s32 s30, v3;
	v8 =	vadd.s32 s30, v2;
	v16 =	vmul.f32 $1.280000000e+02, v16  }
0x2f: {  	v9 =	vand.u32 $0x7FFFFFF8, v7;
	v7 =	vand.u32 $0x7FFFFFF8, v25;
	v15 =	vmul.f32 $1.280000000e+02, v15  }
0x30: {  	v25 =	vadd.s32 s31, v0;
	v19 =	vmul.f32 $1.280000000e+02, v19;
	v16 =	vtrunc.f32 v16  }
0x31: {  	v8 =	vand.u32 $0x7FFFFFF8, v8;
	v15 =	vtrunc.f32 v15;
	v28 =	vcvt.f32.s32 v16  }
0x32: {  	v16 =	vand.u32 $0x7FFFFFF8, v27;
	v27 =	vcvt.f32.s32 v15;
	v19 =	vtrunc.f32 v19  }
0x33: {  	v15 =	vor.u32 v6, v26;
	v26 =	vcvt.f32.s32 v19;
	vm13 =	vgt.s32 v28, $0x0  }
0x34: {  	v19 =	vand.u32 $0x7FFFFFF8, v25;
	vm14 =	vgt.s32 v27, $0x0;
	v25 =	vnsel vm13, $0x0, v28  }
0x35: {  	v27 =	vnsel vm14, $0x0, v27;
	vm15 =	vgt.s32 v26, $0x0;
	v25 =	vmin.u32 v25, $0x7F  }
0x36: {  	v27 =	vmin.u32 v27, $0x7F;
	v28 =	vnsel vm15, $0x0, v26;
	v26 =	vor.u32 v5, v23  }
0x37: {  	v25 =	vshll.u32 v25, $0xE;
	v29 =	vshll.u32 v27, $0x7;
	v27 =	vor.u32 v6, v24  }
0x38: {  	s25 =	simm.s32 $0x4;
	s26 =	simm.s32 $0x6060;
	s22 =	simm.s32 $0x6060;
	v16 =	vor.u32 v5, v16;
	v23 =	vmin.u32 v28, $0x7F;
	v24 =	vor.u32 v29, v25  }
.LBB2_2:
0x39: {  	s25 =	sadd.s32 $0x4, s25;
	s24 =	sadd.s32 $0xC0, s24;
	s26 =	sadd.s32 $0x40, s26;
	v23 =	vor.u32 v23, v24  }
0x3a: {  	v25 =	vor.u32 s24, v2;
	v28 =	vor.u32 s24, v3;
	s28 =	sadd.s32 $0x60, s24;
	s29 =	sadd.s32 $0x90, s24;
	p0 =	slt.u32 s25, $0x1FC;
	[tilespmem:s23+$0xFFFFFFF0] =	vst v23  }
0x3b: {  	v29 =	vadd.s32 s28, v0;
	v23 =	vadd.s32 s28, v2;
	v30 =	vadd.s32 s28, v3;
	v26 =	vld.idx.msk [tilespmem:v26+s3+$0x0], $0xffff  }
0x3c: {  	v31 =	vor.u32 s24, v0;
	v24 =	vand.u32 $0x7FFFFFF8, v23;
	v23 =	vand.u32 $0x7FFFFFF8, v30;
	v27 =	vld.idx.msk [tilespmem:v27+s3+$0x0], $0xffff  }
0x3d: {  	v30 =	vand.u32 v1, v31;
	v29 =	vand.u32 $0x7FFFFFF8, v29;
	v31 =	vadd.s32 s29, v2  }
0x3e: {  	v32 =	vadd.s32 s29, v3;
	v31 =	vand.u32 $0x7FFFFFF8, v31;
	v33 =	vld.idx.msk [tilespmem:v17+s3+$0x0], $0xffff;
	v17 =	vmovc v10;
	v10 =	vor.u32 v4, v29  }
0x3f: {  	v32 =	vand.u32 $0x7FFFFFF8, v32;
	v29 =	vadd.s32 s29, v0  }
0x40: {  	v29 =	vand.u32 $0x7FFFFFF8, v29  }
0x41: {  	v26 =	vmul.f32 $1.280000000e+02, v26  }
0x42: {  	v27 =	vmul.f32 $1.280000000e+02, v27  }
0x43: {  	v26 =	vtrunc.f32 v26  }
0x44: {  	v26 =	vcvt.f32.s32 v26;
	v27 =	vtrunc.f32 v27  }
0x45: {  	v33 =	vmul.f32 $1.280000000e+02, v33;
	v27 =	vcvt.f32.s32 v27  }
0x46: {  	vm0 =	vgt.s32 v26, $0x0  }
0x47: {  	v33 =	vtrunc.f32 v33;
	v26 =	vnsel vm0, $0x0, v26;
	vm0 =	vgt.s32 v27, $0x0  }
0x48: {  	v33 =	vcvt.f32.s32 v33;
	v26 =	vmin.u32 v26, $0x7F;
	v27 =	vnsel vm0, $0x0, v27  }
0x49: {  	v27 =	vmin.u32 v27, $0x7F  }
0x4a: {  	v34 =	vor.u32 v5, v22;
	v22 =	vmovc v8;
	v8 =	vmovc v31;
	vm0 =	vgt.s32 v33, $0x0;
	v27 =	vshll.u32 v27, $0xE  }
0x4b: {  	v26 =	vshll.u32 v26, $0x7;
	v31 =	vnsel vm0, $0x0, v33;
	v33 =	vor.u32 v6, v21;
	v21 =	vmovc v9;
	v9 =	vmovc v32  }
0x4c: {  	v31 =	vmin.u32 v31, $0x7F;
	v26 =	vor.u32 v26, v27;
	v27 =	vor.u32 v4, v20;
	v20 =	vmovc v7;
	v7 =	vmovc v29  }
0x4d: {  	v26 =	vor.u32 v31, v26  }
0x4e: {  	[tilespmem:s23+$0x0] =	vst v26  }
0x4f: {  	v26 =	vld.idx.msk [tilespmem:v34+s3+$0x0], $0xffff  }
0x50: {  	v29 =	vld.idx.msk [tilespmem:v33+s3+$0x0], $0xffff  }
0x51: {  	v27 =	vld.idx.msk [tilespmem:v27+s3+$0x0], $0xffff;
	_ =	sdelay $0x3  }
0x52: {  	v26 =	vmul.f32 $1.280000000e+02, v26  }
0x53: {  	v29 =	vmul.f32 $1.280000000e+02, v29  }
0x54: {  	v27 =	vmul.f32 $1.280000000e+02, v27;
	v26 =	vtrunc.f32 v26  }
0x55: {  	v26 =	vcvt.f32.s32 v26;
	v29 =	vtrunc.f32 v29  }
0x56: {  	v27 =	vtrunc.f32 v27;
	v29 =	vcvt.f32.s32 v29  }
0x57: {  	v27 =	vcvt.f32.s32 v27;
	vm0 =	vgt.s32 v26, $0x0  }
0x58: {  	v26 =	vnsel vm0, $0x0, v26;
	vm0 =	vgt.s32 v29, $0x0  }
0x59: {  	vm1 =	vgt.s32 v27, $0x0;
	v26 =	vmin.u32 v26, $0x7F;
	v29 =	vnsel vm0, $0x0, v29  }
0x5a: {  	v27 =	vnsel vm1, $0x0, v27;
	v29 =	vmin.u32 v29, $0x7F  }
0x5b: {  	v26 =	vshll.u32 v26, $0x7;
	v29 =	vshll.u32 v29, $0xE  }
0x5c: {  	v27 =	vmin.u32 v27, $0x7F;
	v26 =	vor.u32 v26, v29  }
0x5d: {  	v26 =	vor.u32 v27, v26  }
0x5e: {  	[tilespmem:s23+$0x10] =	vst v26;
	s23 =	smov.u32 s22;
	s22 =	smov.u32 s26  }
0x5f: {  	v26 =	vld.idx.msk [tilespmem:v14+s3+$0x0], $0xffff;
	v14 =	vmov v28  }
0x60: {  	v27 =	vld.idx.msk [tilespmem:v13+s3+$0x0], $0xffff;
	v13 =	vmov v25  }
0x61: {  	v25 =	vld.idx.msk [tilespmem:v18+s3+$0x0], $0xffff;
	v18 =	vmov v30;
	_ =	sdelay $0x2  }
0x62: {  	s28 =	sadd.s32 $0x30, s24  }
0x63: {  	v29 =	vadd.s32 s28, v3;
	v28 =	vadd.s32 s28, v0  }
0x64: {  	v29 =	vand.u32 $0x7FFFFFF8, v29;
	v26 =	vmul.f32 $1.280000000e+02, v26;
	v27 =	vmul.f32 $1.280000000e+02, v27  }
0x65: {  	v29 =	vor.u32 v6, v29;
	v30 =	vadd.s32 s28, v2;
	v25 =	vmul.f32 $1.280000000e+02, v25  }
0x66: {  	v30 =	vand.u32 $0x7FFFFFF8, v30;
	v26 =	vtrunc.f32 v26;
	v27 =	vtrunc.f32 v27  }
0x67: {  	v30 =	vor.u32 v5, v30;
	v26 =	vcvt.f32.s32 v26;
	v27 =	vcvt.f32.s32 v27  }
0x68: {  	v28 =	vand.u32 $0x7FFFFFF8, v28;
	v25 =	vtrunc.f32 v25  }
0x69: {  	v25 =	vcvt.f32.s32 v25;
	vm1 =	vgt.s32 v26, $0x0;
	vm0 =	vgt.s32 v27, $0x0  }
0x6a: {  	v26 =	vnsel vm1, $0x0, v26;
	v27 =	vnsel vm0, $0x0, v27  }
0x6b: {  	vm0 =	vgt.s32 v25, $0x0;
	v26 =	vmin.u32 v26, $0x7F;
	v27 =	vmin.u32 v27, $0x7F  }
0x6c: {  	v25 =	vnsel vm0, $0x0, v25;
	v26 =	vshll.u32 v26, $0xE;
	v27 =	vshll.u32 v27, $0x7  }
0x6d: {  	v25 =	vmin.u32 v25, $0x7F;
	v26 =	vor.u32 v27, v26;
	v27 =	vor.u32 v4, v19;
	v19 =	vmovc v28  }
0x6e: {  	v25 =	vor.u32 v25, v26  }
0x6f: {  	[tilespmem:s23+$0xFFFFFFE0] =	vst v25  }
0x70: {  	v25 =	vld.idx.msk [tilespmem:v15+s3+$0x0], $0xffff;
	v15 =	vmov v29  }
0x71: {  	v26 =	vld.idx.msk [tilespmem:v16+s3+$0x0], $0xffff;
	v16 =	vmov v30  }
0x72: {  	v27 =	vld.idx.msk [tilespmem:v27+s3+$0x0], $0xffff;
	_ =	sdelay $0x3  }
0x73: {  	v25 =	vmul.f32 $1.280000000e+02, v25  }
0x74: {  	v26 =	vmul.f32 $1.280000000e+02, v26  }
0x75: {  	v27 =	vmul.f32 $1.280000000e+02, v27;
	v25 =	vtrunc.f32 v25  }
0x76: {  	v26 =	vtrunc.f32 v26;
	v25 =	vcvt.f32.s32 v25  }
0x77: {  	v27 =	vtrunc.f32 v27;
	v26 =	vcvt.f32.s32 v26  }
0x78: {  	v27 =	vcvt.f32.s32 v27;
	vm0 =	vgt.s32 v25, $0x0  }
.Ltmp0:
0x79: {  	vm1 =	vgt.s32 v26, $0x0;
	v25 =	vnsel vm0, $0x0, v25;
	(pc) =	sbr.rel @p0 .LBB2_2-.Ltmp0, $4  }
0x7a: {  	vm0 =	vgt.s32 v27, $0x0;
	v26 =	vnsel vm1, $0x0, v26;
	v25 =	vmin.u32 v25, $0x7F  }
0x7b: {  	v28 =	vnsel vm0, $0x0, v27;
	v27 =	vmin.u32 v26, $0x7F;
	v26 =	vor.u32 v5, v12;
	v12 =	vmovc v24  }
0x7c: {  	v24 =	vshll.u32 v25, $0xE;
	v25 =	vshll.u32 v27, $0x7;
	v27 =	vor.u32 v6, v11;
	v11 =	vmovc v23  }
0x7d: {  	v23 =	vmin.u32 v28, $0x7F;
	v24 =	vor.u32 v25, v24  }
0x7e: {  	_ =	sdelay $0x1  }
0x7f: {  	v23 =	vor.u32 v23, v24  }
0x80: {  	[tilespmem:s23+$0xFFFFFFF0] =	vst v23  }
0x81: {  	v23 =	vld.idx.msk [tilespmem:v26+s3+$0x0], $0xffff  }
0x82: {  	v24 =	vld.idx.msk [tilespmem:v27+s3+$0x0], $0xffff  }
0x83: {  	v17 =	vld.idx.msk [tilespmem:v17+s3+$0x0], $0xffff;
	_ =	sdelay $0x3  }
0x84: {  	v23 =	vmul.f32 $1.280000000e+02, v23;
	v24 =	vmul.f32 $1.280000000e+02, v24  }
0x85: {  	v17 =	vmul.f32 $1.280000000e+02, v17  }
0x86: {  	v23 =	vtrunc.f32 v23;
	v24 =	vtrunc.f32 v24  }
0x87: {  	v23 =	vcvt.f32.s32 v23;
	v24 =	vcvt.f32.s32 v24  }
0x88: {  	v22 =	vor.u32 v5, v22;
	v17 =	vtrunc.f32 v17  }
0x89: {  	v17 =	vcvt.f32.s32 v17;
	vm0 =	vgt.s32 v23, $0x0;
	vm1 =	vgt.s32 v24, $0x0  }
0x8a: {  	v21 =	vor.u32 v6, v21;
	v23 =	vnsel vm0, $0x0, v23;
	v24 =	vnsel vm1, $0x0, v24  }
0x8b: {  	vm6 =	vgt.s32 v17, $0x0;
	v23 =	vmin.u32 v23, $0x7F;
	v24 =	vmin.u32 v24, $0x7F  }
0x8c: {  	v17 =	vnsel vm6, $0x0, v17;
	v24 =	vshll.u32 v24, $0xE;
	v23 =	vshll.u32 v23, $0x7  }
0x8d: {  	v20 =	vor.u32 v4, v20;
	v17 =	vmin.u32 v17, $0x7F;
	v23 =	vor.u32 v23, v24  }
0x8e: {  	v17 =	vor.u32 v17, v23  }
0x8f: {  	[tilespmem:s23+$0x0] =	vst v17  }
0x90: {  	v17 =	vld.idx.msk [tilespmem:v22+s3+$0x0], $0xffff  }
0x91: {  	v21 =	vld.idx.msk [tilespmem:v21+s3+$0x0], $0xffff  }
0x92: {  	v20 =	vld.idx.msk [tilespmem:v20+s3+$0x0], $0xffff;
	_ =	sdelay $0x3  }
0x93: {  	v17 =	vmul.f32 $1.280000000e+02, v17;
	v21 =	vmul.f32 $1.280000000e+02, v21  }
0x94: {  	v20 =	vmul.f32 $1.280000000e+02, v20  }
0x95: {  	v17 =	vtrunc.f32 v17;
	v21 =	vtrunc.f32 v21  }
0x96: {  	v17 =	vcvt.f32.s32 v17;
	v21 =	vcvt.f32.s32 v21  }
0x97: {  	v20 =	vtrunc.f32 v20  }
0x98: {  	v20 =	vcvt.f32.s32 v20;
	vm7 =	vgt.s32 v17, $0x0;
	vm8 =	vgt.s32 v21, $0x0  }
0x99: {  	v17 =	vnsel vm7, $0x0, v17;
	v21 =	vnsel vm8, $0x0, v21  }
0x9a: {  	vm9 =	vgt.s32 v20, $0x0;
	v17 =	vmin.u32 v17, $0x7F;
	v21 =	vmin.u32 v21, $0x7F  }
0x9b: {  	v20 =	vnsel vm9, $0x0, v20;
	v21 =	vshll.u32 v21, $0xE;
	v17 =	vshll.u32 v17, $0x7  }
0x9c: {  	v20 =	vmin.u32 v20, $0x7F;
	v17 =	vor.u32 v17, v21  }
0x9d: {  	v17 =	vor.u32 v20, v17  }
0x9e: {  	[tilespmem:s23+$0x10] =	vst v17  }
0x9f: {  	v14 =	vld.idx.msk [tilespmem:v14+s3+$0x0], $0xffff  }
0xa0: {  	v13 =	vld.idx.msk [tilespmem:v13+s3+$0x0], $0xffff  }
0xa1: {  	v17 =	vld.idx.msk [tilespmem:v18+s3+$0x0], $0xffff;
	_ =	sdelay $0x3  }
0xa2: {  	v13 =	vmul.f32 $1.280000000e+02, v13;
	v14 =	vmul.f32 $1.280000000e+02, v14  }
0xa3: {  	v17 =	vmul.f32 $1.280000000e+02, v17  }
0xa4: {  	v13 =	vtrunc.f32 v13;
	v14 =	vtrunc.f32 v14  }
0xa5: {  	v13 =	vcvt.f32.s32 v13;
	v14 =	vcvt.f32.s32 v14  }
0xa6: {  	v17 =	vtrunc.f32 v17  }
0xa7: {  	v17 =	vcvt.f32.s32 v17;
	vm10 =	vgt.s32 v13, $0x0;
	vm11 =	vgt.s32 v14, $0x0  }
0xa8: {  	v13 =	vnsel vm10, $0x0, v13;
	v14 =	vnsel vm11, $0x0, v14  }
0xa9: {  	vm12 =	vgt.s32 v17, $0x0;
	v13 =	vmin.u32 v13, $0x7F;
	v14 =	vmin.u32 v14, $0x7F  }
0xaa: {  	v17 =	vnsel vm12, $0x0, v17;
	v14 =	vshll.u32 v14, $0xE;
	v13 =	vshll.u32 v13, $0x7  }
0xab: {  	v17 =	vmin.u32 v17, $0x7F;
	v13 =	vor.u32 v13, v14;
	v14 =	vor.u32 v4, v19  }
0xac: {  	v13 =	vor.u32 v17, v13  }
0xad: {  	[tilespmem:s22+$0xFFFFFFE0] =	vst v13  }
0xae: {  	v13 =	vld.idx.msk [tilespmem:v15+s3+$0x0], $0xffff  }
0xaf: {  	v15 =	vld.idx.msk [tilespmem:v16+s3+$0x0], $0xffff  }
0xb0: {  	v14 =	vld.idx.msk [tilespmem:v14+s3+$0x0], $0xffff;
	_ =	sdelay $0x3  }
0xb1: {  	v13 =	vmul.f32 $1.280000000e+02, v13;
	v15 =	vmul.f32 $1.280000000e+02, v15  }
0xb2: {  	v14 =	vmul.f32 $1.280000000e+02, v14  }
0xb3: {  	v13 =	vtrunc.f32 v13;
	v15 =	vtrunc.f32 v15  }
0xb4: {  	v13 =	vcvt.f32.s32 v13;
	v15 =	vcvt.f32.s32 v15  }
0xb5: {  	v12 =	vor.u32 v5, v12;
	v14 =	vtrunc.f32 v14  }
0xb6: {  	v14 =	vcvt.f32.s32 v14;
	vm13 =	vgt.s32 v13, $0x0;
	vm14 =	vgt.s32 v15, $0x0  }
0xb7: {  	v11 =	vor.u32 v6, v11;
	v13 =	vnsel vm13, $0x0, v13;
	v15 =	vnsel vm14, $0x0, v15  }
0xb8: {  	vm15 =	vgt.s32 v14, $0x0;
	v13 =	vmin.u32 v13, $0x7F;
	v15 =	vmin.u32 v15, $0x7F  }
0xb9: {  	v14 =	vnsel vm15, $0x0, v14;
	v13 =	vshll.u32 v13, $0xE;
	v15 =	vshll.u32 v15, $0x7  }
0xba: {  	v14 =	vmin.u32 v14, $0x7F;
	v13 =	vor.u32 v15, v13  }
0xbb: {  	v13 =	vor.u32 v14, v13  }
0xbc: {  	[tilespmem:s22+$0xFFFFFFF0] =	vst v13  }
0xbd: {  	v12 =	vld.idx.msk [tilespmem:v12+s3+$0x0], $0xffff  }
0xbe: {  	v11 =	vld.idx.msk [tilespmem:v11+s3+$0x0], $0xffff  }
0xbf: {  	v10 =	vld.idx.msk [tilespmem:v10+s3+$0x0], $0xffff;
	_ =	sdelay $0x3  }
0xc0: {  	v12 =	vmul.f32 $1.280000000e+02, v12;
	v11 =	vmul.f32 $1.280000000e+02, v11  }
0xc1: {  	v10 =	vmul.f32 $1.280000000e+02, v10  }
0xc2: {  	v12 =	vtrunc.f32 v12;
	v11 =	vtrunc.f32 v11  }
0xc3: {  	v12 =	vcvt.f32.s32 v12;
	v11 =	vcvt.f32.s32 v11  }
0xc4: {  	v8 =	vor.u32 v5, v8;
	v10 =	vtrunc.f32 v10  }
0xc5: {  	v10 =	vcvt.f32.s32 v10;
	vm4 =	vgt.s32 v12, $0x0;
	vm5 =	vgt.s32 v11, $0x0  }
0xc6: {  	v9 =	vor.u32 v6, v9;
	v12 =	vnsel vm4, $0x0, v12;
	v11 =	vnsel vm5, $0x0, v11  }
0xc7: {  	vm6 =	vgt.s32 v10, $0x0;
	v12 =	vmin.u32 v12, $0x7F;
	v11 =	vmin.u32 v11, $0x7F  }
0xc8: {  	v10 =	vnsel vm6, $0x0, v10;
	v11 =	vshll.u32 v11, $0xE;
	v12 =	vshll.u32 v12, $0x7  }
0xc9: {  	v7 =	vor.u32 v4, v7;
	v10 =	vmin.u32 v10, $0x7F;
	v11 =	vor.u32 v12, v11  }
0xca: {  	v10 =	vor.u32 v10, v11  }
0xcb: {  	[tilespmem:s22+$0x0] =	vst v10  }
0xcc: {  	v8 =	vld.idx.msk [tilespmem:v8+s3+$0x0], $0xffff  }
0xcd: {  	v9 =	vld.idx.msk [tilespmem:v9+s3+$0x0], $0xffff  }
0xce: {  	v7 =	vld.idx.msk [tilespmem:v7+s3+$0x0], $0xffff;
	_ =	sdelay $0x3  }
0xcf: {  	v8 =	vmul.f32 $1.280000000e+02, v8;
	v9 =	vmul.f32 $1.280000000e+02, v9  }
0xd0: {  	v7 =	vmul.f32 $1.280000000e+02, v7  }
0xd1: {  	v8 =	vtrunc.f32 v8;
	v9 =	vtrunc.f32 v9  }
0xd2: {  	v8 =	vcvt.f32.s32 v8;
	v9 =	vcvt.f32.s32 v9  }
0xd3: {  	v7 =	vtrunc.f32 v7  }
0xd4: {  	v7 =	vcvt.f32.s32 v7;
	vm7 =	vgt.s32 v8, $0x0;
	vm8 =	vgt.s32 v9, $0x0  }
0xd5: {  	v8 =	vnsel vm7, $0x0, v8;
	v9 =	vnsel vm8, $0x0, v9  }
0xd6: {  	vm9 =	vgt.s32 v7, $0x0;
	v8 =	vmin.u32 v8, $0x7F;
	v9 =	vmin.u32 v9, $0x7F  }
0xd7: {  	v7 =	vnsel vm9, $0x0, v7;
	v9 =	vshll.u32 v9, $0xE;
	v8 =	vshll.u32 v8, $0x7  }
0xd8: {  	v7 =	vmin.u32 v7, $0x7F;
	v8 =	vor.u32 v8, v9  }
0xd9: {  	v7 =	vor.u32 v7, v8  }
0xda: {  	[tilespmem:s22+$0x10] =	vst v7  }
0xdb: {  	[tilespmem:s17], [sflag:$0x1] =	stream.indirect.gather [hbm4b:s1+s15], $0x1, s16, s15, $0xb8;
	[tilespmem:$0x1A000] =	vst v63  }
0xdc: {  	_ =	swait.ge [sflag:s18], $0x2000  }
0xdd: {  	[sflag:s18] =	ssyncset.done $0x0  }
0xde: {  	[sflag:s18] =	ssyncadd.s32 $0xFFFFE000  }
0xdf: {  	[tilespmem:s19], [sflag:$0x2] =	stream.indirect.gather [hbm4b:s4+s15], $0x3, s17, s15, $0xb8;
	[tilespmem:$0x1A000] =	vst v63  }
0xe0: {  	_ =	swait.ge [sflag:s20], $0x6000  }
0xe1: {  	[sflag:s20] =	ssyncset.done $0x0  }
0xe2: {  	s25 =	simm.s32 $0x0;
	[sflag:s20] =	ssyncadd.s32 $0xFFFFA000  }
0xe3: {  	[hbm4b:s6+s25] =	stream.linear.scatter [tilespmem:s19], [sflag:$0x3], $0x10000, $0x38;
	[tilespmem:$0x1A000] =	vst v63  }
0xe4: {  	_ =	swait.ge [sflag:s14], $0x10000  }
0xe5: {  	[sflag:s14] =	ssyncset.done $0x0  }
0xe6: {  	v7 =	vor.u32 s25, v3;
	[sflag:s14] =	ssyncadd.s32 $0xFFFF0000  }
0xe7: {  	v9 =	vor.u32 s25, v0;
	v8 =	vor.u32 s25, v2;
	[tilespmem:s25], [sflag:$0x3] =	stream.linear.gather [hbm4b:s7+s25], $0x6000, $0x38;
	[tilespmem:$0x1A000] =	vst v63  }
0xe8: {  	v9 =	vand.u32 v1, v9;
	_ =	swait.ge [sflag:s14], $0x6000  }
0xe9: {  	[sflag:s14] =	ssyncset.done $0x0  }
0xea: {  	[sflag:s14] =	ssyncadd.s32 $0xFFFFA000  }
0xeb: {  	v7 =	vld.idx.msk [tilespmem:v7+s3+$0x0], $0xffff  }
0xec: {  	v8 =	vld.idx.msk [tilespmem:v8+s3+$0x0], $0xffff  }
0xed: {  	s28 =	simm.s32 $0x30;
	s30 =	simm.s32 $0x150;
	v9 =	vld.idx.msk [tilespmem:v9+s3+$0x0], $0xffff  }
0xee: {  	s26 =	simm.s32 $0x60;
	s31 =	simm.s32 $0xF0;
	v25 =	vadd.s32 s30, v0;
	v13 =	vadd.s32 s28, v2  }
0xef: {  	v26 =	vadd.s32 s31, v3;
	v13 =	vand.u32 $0x7FFFFFF8, v13;
	v12 =	vadd.s32 s26, v3  }
0xf0: {  	v27 =	vadd.s32 s31, v2;
	v15 =	vor.u32 v5, v13;
	v24 =	vand.u32 $0x7FFFFFF8, v12  }
0xf1: {  	v10 =	vadd.s32 s26, v0;
	v8 =	vmul.f32 $1.280000000e+02, v8;
	v7 =	vmul.f32 $1.280000000e+02, v7  }
0xf2: {  	v12 =	vadd.s32 s28, v0;
	v10 =	vand.u32 $0x7FFFFFF8, v10;
	v9 =	vmul.f32 $1.280000000e+02, v9  }
0xf3: {  	v17 =	vor.u32 v4, v10;
	v8 =	vtrunc.f32 v8;
	v7 =	vtrunc.f32 v7  }
0xf4: {  	v10 =	vadd.s32 s28, v3;
	v8 =	vcvt.f32.s32 v8;
	v7 =	vcvt.f32.s32 v7  }
0xf5: {  	v12 =	vand.u32 $0x7FFFFFF8, v12;
	v10 =	vand.u32 $0x7FFFFFF8, v10;
	v9 =	vtrunc.f32 v9  }
0xf6: {  	v9 =	vcvt.f32.s32 v9;
	vm10 =	vgt.s32 v8, $0x0;
	vm11 =	vgt.s32 v7, $0x0  }
0xf7: {  	v10 =	vor.u32 v6, v10;
	v8 =	vnsel vm10, $0x0, v8;
	v7 =	vnsel vm11, $0x0, v7  }
0xf8: {  	vm12 =	vgt.s32 v9, $0x0;
	v8 =	vmin.u32 v8, $0x7F;
	v7 =	vmin.u32 v7, $0x7F  }
0xf9: {  	v9 =	vnsel vm12, $0x0, v9;
	v7 =	vshll.u32 v7, $0xE;
	v8 =	vshll.u32 v8, $0x7  }
0xfa: {  	v9 =	vmin.u32 v9, $0x7F;
	v7 =	vor.u32 v8, v7;
	v8 =	vor.u32 v4, v12  }
0xfb: {  	s24 =	simm.s32 $0x90;
	v26 =	vand.u32 $0x7FFFFFF8, v26;
	s23 =	simm.s32 $0x6020;
	v11 =	vadd.s32 s26, v2;
	v7 =	vor.u32 v9, v7  }
0xfc: {  	v13 =	vadd.s32 s24, v0;
	v23 =	vand.u32 $0x7FFFFFF8, v11;
	v11 =	vadd.s32 s24, v2;
	[tilespmem:s23+$0xFFFFFFE0] =	vst v7  }
0xfd: {  	v20 =	vand.u32 $0x7FFFFFF8, v13;
	v22 =	vand.u32 $0x7FFFFFF8, v11;
	v12 =	vadd.s32 s24, v3;
	s24 =	simm.s32 $0xC0;
	v16 =	vld.idx.msk [tilespmem:v10+s3+$0x0], $0xffff  }
0xfe: {  	s29 =	simm.s32 $0x120;
	v21 =	vand.u32 $0x7FFFFFF8, v12;
	v13 =	vor.u32 s24, v2;
	v14 =	vor.u32 s24, v3;
	v15 =	vld.idx.msk [tilespmem:v15+s3+$0x0], $0xffff  }
0xff: {  	v9 =	vadd.s32 s29, v2;
	v18 =	vor.u32 s24, v0;
	v7 =	vadd.s32 s29, v0;
	v19 =	vld.idx.msk [tilespmem:v8+s3+$0x0], $0xffff  }
0x100: {  	v12 =	vand.u32 $0x7FFFFFF8, v9;
	v10 =	vadd.s32 s29, v3;
	v7 =	vand.u32 $0x7FFFFFF8, v7  }
0x101: {  	v18 =	vand.u32 v1, v18;
	v11 =	vand.u32 $0x7FFFFFF8, v10;
	v10 =	vor.u32 v4, v7  }
0x102: {  	v7 =	vadd.s32 s30, v3;
	v8 =	vadd.s32 s30, v2;
	v16 =	vmul.f32 $1.280000000e+02, v16  }
0x103: {  	v9 =	vand.u32 $0x7FFFFFF8, v7;
	v7 =	vand.u32 $0x7FFFFFF8, v25;
	v15 =	vmul.f32 $1.280000000e+02, v15  }
0x104: {  	v25 =	vadd.s32 s31, v0;
	v19 =	vmul.f32 $1.280000000e+02, v19;
	v16 =	vtrunc.f32 v16  }
0x105: {  	v8 =	vand.u32 $0x7FFFFFF8, v8;
	v15 =	vtrunc.f32 v15;
	v28 =	vcvt.f32.s32 v16  }
0x106: {  	v16 =	vand.u32 $0x7FFFFFF8, v27;
	v27 =	vcvt.f32.s32 v15;
	v19 =	vtrunc.f32 v19  }
0x107: {  	v15 =	vor.u32 v6, v26;
	v26 =	vcvt.f32.s32 v19;
	vm13 =	vgt.s32 v28, $0x0  }
0x108: {  	v19 =	vand.u32 $0x7FFFFFF8, v25;
	vm14 =	vgt.s32 v27, $0x0;
	v25 =	vnsel vm13, $0x0, v28  }
0x109: {  	v27 =	vnsel vm14, $0x0, v27;
	vm15 =	vgt.s32 v26, $0x0;
	v25 =	vmin.u32 v25, $0x7F  }
0x10a: {  	v27 =	vmin.u32 v27, $0x7F;
	v28 =	vnsel vm15, $0x0, v26;
	v26 =	vor.u32 v5, v23  }
0x10b: {  	v25 =	vshll.u32 v25, $0xE;
	v29 =	vshll.u32 v27, $0x7;
	v27 =	vor.u32 v6, v24  }
0x10c: {  	s26 =	simm.s32 $0x6060;
	s22 =	simm.s32 $0x6060;
	s25 =	simm.s32 $0x4;
	v16 =	vor.u32 v5, v16;
	v23 =	vmin.u32 v28, $0x7F;
	v24 =	vor.u32 v29, v25  }
.LBB2_4:
0x10d: {  	s25 =	sadd.s32 $0x4, s25;
	s24 =	sadd.s32 $0xC0, s24;
	s26 =	sadd.s32 $0x40, s26;
	v23 =	vor.u32 v23, v24  }
0x10e: {  	v25 =	vor.u32 s24, v2;
	v28 =	vor.u32 s24, v3;
	s28 =	sadd.s32 $0x60, s24;
	s29 =	sadd.s32 $0x90, s24;
	p0 =	slt.u32 s25, $0x1FC;
	[tilespmem:s23+$0xFFFFFFF0] =	vst v23  }
0x10f: {  	v29 =	vadd.s32 s28, v0;
	v23 =	vadd.s32 s28, v2;
	v30 =	vadd.s32 s28, v3;
	v26 =	vld.idx.msk [tilespmem:v26+s3+$0x0], $0xffff  }
0x110: {  	v31 =	vor.u32 s24, v0;
	v24 =	vand.u32 $0x7FFFFFF8, v23;
	v23 =	vand.u32 $0x7FFFFFF8, v30;
	v27 =	vld.idx.msk [tilespmem:v27+s3+$0x0], $0xffff  }
0x111: {  	v30 =	vand.u32 v1, v31;
	v29 =	vand.u32 $0x7FFFFFF8, v29;
	v31 =	vadd.s32 s29, v2  }
0x112: {  	v32 =	vadd.s32 s29, v3;
	v31 =	vand.u32 $0x7FFFFFF8, v31;
	v33 =	vld.idx.msk [tilespmem:v17+s3+$0x0], $0xffff;
	v17 =	vmovc v10;
	v10 =	vor.u32 v4, v29  }
0x113: {  	v32 =	vand.u32 $0x7FFFFFF8, v32;
	v29 =	vadd.s32 s29, v0  }
0x114: {  	v29 =	vand.u32 $0x7FFFFFF8, v29  }
0x115: {  	v26 =	vmul.f32 $1.280000000e+02, v26  }
0x116: {  	v27 =	vmul.f32 $1.280000000e+02, v27  }
0x117: {  	v26 =	vtrunc.f32 v26  }
0x118: {  	v26 =	vcvt.f32.s32 v26;
	v27 =	vtrunc.f32 v27  }
0x119: {  	v33 =	vmul.f32 $1.280000000e+02, v33;
	v27 =	vcvt.f32.s32 v27  }
0x11a: {  	vm0 =	vgt.s32 v26, $0x0  }
0x11b: {  	v33 =	vtrunc.f32 v33;
	v26 =	vnsel vm0, $0x0, v26;
	vm0 =	vgt.s32 v27, $0x0  }
0x11c: {  	v33 =	vcvt.f32.s32 v33;
	v26 =	vmin.u32 v26, $0x7F;
	v27 =	vnsel vm0, $0x0, v27  }
0x11d: {  	v27 =	vmin.u32 v27, $0x7F  }
0x11e: {  	v34 =	vor.u32 v5, v22;
	v22 =	vmovc v8;
	v8 =	vmovc v31;
	vm0 =	vgt.s32 v33, $0x0;
	v27 =	vshll.u32 v27, $0xE  }
0x11f: {  	v26 =	vshll.u32 v26, $0x7;
	v31 =	vnsel vm0, $0x0, v33;
	v33 =	vor.u32 v6, v21;
	v21 =	vmovc v9;
	v9 =	vmovc v32  }
0x120: {  	v31 =	vmin.u32 v31, $0x7F;
	v26 =	vor.u32 v26, v27;
	v27 =	vor.u32 v4, v20;
	v20 =	vmovc v7;
	v7 =	vmovc v29  }
0x121: {  	v26 =	vor.u32 v31, v26  }
0x122: {  	[tilespmem:s23+$0x0] =	vst v26  }
0x123: {  	v26 =	vld.idx.msk [tilespmem:v34+s3+$0x0], $0xffff  }
0x124: {  	v29 =	vld.idx.msk [tilespmem:v33+s3+$0x0], $0xffff  }
0x125: {  	v27 =	vld.idx.msk [tilespmem:v27+s3+$0x0], $0xffff;
	_ =	sdelay $0x3  }
0x126: {  	v26 =	vmul.f32 $1.280000000e+02, v26  }
0x127: {  	v29 =	vmul.f32 $1.280000000e+02, v29  }
0x128: {  	v27 =	vmul.f32 $1.280000000e+02, v27;
	v26 =	vtrunc.f32 v26  }
0x129: {  	v26 =	vcvt.f32.s32 v26;
	v29 =	vtrunc.f32 v29  }
0x12a: {  	v27 =	vtrunc.f32 v27;
	v29 =	vcvt.f32.s32 v29  }
0x12b: {  	v27 =	vcvt.f32.s32 v27;
	vm0 =	vgt.s32 v26, $0x0  }
0x12c: {  	v26 =	vnsel vm0, $0x0, v26;
	vm0 =	vgt.s32 v29, $0x0  }
0x12d: {  	vm1 =	vgt.s32 v27, $0x0;
	v26 =	vmin.u32 v26, $0x7F;
	v29 =	vnsel vm0, $0x0, v29  }
0x12e: {  	v27 =	vnsel vm1, $0x0, v27;
	v29 =	vmin.u32 v29, $0x7F  }
0x12f: {  	v26 =	vshll.u32 v26, $0x7;
	v29 =	vshll.u32 v29, $0xE  }
0x130: {  	v27 =	vmin.u32 v27, $0x7F;
	v26 =	vor.u32 v26, v29  }
0x131: {  	v26 =	vor.u32 v27, v26  }
0x132: {  	[tilespmem:s23+$0x10] =	vst v26;
	s23 =	smov.u32 s22;
	s22 =	smov.u32 s26  }
0x133: {  	v26 =	vld.idx.msk [tilespmem:v14+s3+$0x0], $0xffff;
	v14 =	vmov v28  }
0x134: {  	v27 =	vld.idx.msk [tilespmem:v13+s3+$0x0], $0xffff;
	v13 =	vmov v25  }
0x135: {  	v25 =	vld.idx.msk [tilespmem:v18+s3+$0x0], $0xffff;
	v18 =	vmov v30;
	_ =	sdelay $0x2  }
0x136: {  	s28 =	sadd.s32 $0x30, s24  }
0x137: {  	v29 =	vadd.s32 s28, v3;
	v28 =	vadd.s32 s28, v0  }
0x138: {  	v29 =	vand.u32 $0x7FFFFFF8, v29;
	v26 =	vmul.f32 $1.280000000e+02, v26;
	v27 =	vmul.f32 $1.280000000e+02, v27  }
0x139: {  	v29 =	vor.u32 v6, v29;
	v30 =	vadd.s32 s28, v2;
	v25 =	vmul.f32 $1.280000000e+02, v25  }
0x13a: {  	v30 =	vand.u32 $0x7FFFFFF8, v30;
	v26 =	vtrunc.f32 v26;
	v27 =	vtrunc.f32 v27  }
0x13b: {  	v30 =	vor.u32 v5, v30;
	v26 =	vcvt.f32.s32 v26;
	v27 =	vcvt.f32.s32 v27  }
0x13c: {  	v28 =	vand.u32 $0x7FFFFFF8, v28;
	v25 =	vtrunc.f32 v25  }
0x13d: {  	v25 =	vcvt.f32.s32 v25;
	vm1 =	vgt.s32 v26, $0x0;
	vm0 =	vgt.s32 v27, $0x0  }
0x13e: {  	v26 =	vnsel vm1, $0x0, v26;
	v27 =	vnsel vm0, $0x0, v27  }
0x13f: {  	vm0 =	vgt.s32 v25, $0x0;
	v26 =	vmin.u32 v26, $0x7F;
	v27 =	vmin.u32 v27, $0x7F  }
0x140: {  	v25 =	vnsel vm0, $0x0, v25;
	v26 =	vshll.u32 v26, $0xE;
	v27 =	vshll.u32 v27, $0x7  }
0x141: {  	v25 =	vmin.u32 v25, $0x7F;
	v26 =	vor.u32 v27, v26;
	v27 =	vor.u32 v4, v19;
	v19 =	vmovc v28  }
0x142: {  	v25 =	vor.u32 v25, v26  }
0x143: {  	[tilespmem:s23+$0xFFFFFFE0] =	vst v25  }
0x144: {  	v25 =	vld.idx.msk [tilespmem:v15+s3+$0x0], $0xffff;
	v15 =	vmov v29  }
0x145: {  	v26 =	vld.idx.msk [tilespmem:v16+s3+$0x0], $0xffff;
	v16 =	vmov v30  }
0x146: {  	v27 =	vld.idx.msk [tilespmem:v27+s3+$0x0], $0xffff;
	_ =	sdelay $0x3  }
0x147: {  	v25 =	vmul.f32 $1.280000000e+02, v25  }
0x148: {  	v26 =	vmul.f32 $1.280000000e+02, v26  }
0x149: {  	v27 =	vmul.f32 $1.280000000e+02, v27;
	v25 =	vtrunc.f32 v25  }
0x14a: {  	v26 =	vtrunc.f32 v26;
	v25 =	vcvt.f32.s32 v25  }
0x14b: {  	v27 =	vtrunc.f32 v27;
	v26 =	vcvt.f32.s32 v26  }
0x14c: {  	v27 =	vcvt.f32.s32 v27;
	vm0 =	vgt.s32 v25, $0x0  }
.Ltmp1:
0x14d: {  	vm1 =	vgt.s32 v26, $0x0;
	v25 =	vnsel vm0, $0x0, v25;
	(pc) =	sbr.rel @p0 .LBB2_4-.Ltmp1, $4  }
0x14e: {  	vm0 =	vgt.s32 v27, $0x0;
	v26 =	vnsel vm1, $0x0, v26;
	v25 =	vmin.u32 v25, $0x7F  }
0x14f: {  	v28 =	vnsel vm0, $0x0, v27;
	v27 =	vmin.u32 v26, $0x7F;
	v26 =	vor.u32 v5, v12;
	v12 =	vmovc v24  }
0x150: {  	v24 =	vshll.u32 v25, $0xE;
	v25 =	vshll.u32 v27, $0x7;
	v27 =	vor.u32 v6, v11;
	v11 =	vmovc v23  }
0x151: {  	v23 =	vmin.u32 v28, $0x7F;
	v24 =	vor.u32 v25, v24  }
0x152: {  	_ =	sdelay $0x1  }
0x153: {  	v23 =	vor.u32 v23, v24  }
0x154: {  	[tilespmem:s23+$0xFFFFFFF0] =	vst v23  }
0x155: {  	v23 =	vld.idx.msk [tilespmem:v26+s3+$0x0], $0xffff  }
0x156: {  	v24 =	vld.idx.msk [tilespmem:v27+s3+$0x0], $0xffff  }
0x157: {  	v17 =	vld.idx.msk [tilespmem:v17+s3+$0x0], $0xffff;
	_ =	sdelay $0x3  }
0x158: {  	v23 =	vmul.f32 $1.280000000e+02, v23;
	v24 =	vmul.f32 $1.280000000e+02, v24  }
0x159: {  	v17 =	vmul.f32 $1.280000000e+02, v17  }
0x15a: {  	v23 =	vtrunc.f32 v23;
	v24 =	vtrunc.f32 v24  }
0x15b: {  	v23 =	vcvt.f32.s32 v23;
	v24 =	vcvt.f32.s32 v24  }
0x15c: {  	v22 =	vor.u32 v5, v22;
	v17 =	vtrunc.f32 v17  }
0x15d: {  	v17 =	vcvt.f32.s32 v17;
	vm0 =	vgt.s32 v23, $0x0;
	vm1 =	vgt.s32 v24, $0x0  }
0x15e: {  	v21 =	vor.u32 v6, v21;
	v23 =	vnsel vm0, $0x0, v23;
	v24 =	vnsel vm1, $0x0, v24  }
0x15f: {  	vm6 =	vgt.s32 v17, $0x0;
	v23 =	vmin.u32 v23, $0x7F;
	v24 =	vmin.u32 v24, $0x7F  }
0x160: {  	v17 =	vnsel vm6, $0x0, v17;
	v24 =	vshll.u32 v24, $0xE;
	v23 =	vshll.u32 v23, $0x7  }
0x161: {  	v20 =	vor.u32 v4, v20;
	v17 =	vmin.u32 v17, $0x7F;
	v23 =	vor.u32 v23, v24  }
0x162: {  	v17 =	vor.u32 v17, v23  }
0x163: {  	[tilespmem:s23+$0x0] =	vst v17  }
0x164: {  	v17 =	vld.idx.msk [tilespmem:v22+s3+$0x0], $0xffff  }
0x165: {  	v21 =	vld.idx.msk [tilespmem:v21+s3+$0x0], $0xffff  }
0x166: {  	v20 =	vld.idx.msk [tilespmem:v20+s3+$0x0], $0xffff;
	_ =	sdelay $0x3  }
0x167: {  	v17 =	vmul.f32 $1.280000000e+02, v17;
	v21 =	vmul.f32 $1.280000000e+02, v21  }
0x168: {  	v20 =	vmul.f32 $1.280000000e+02, v20  }
0x169: {  	v17 =	vtrunc.f32 v17;
	v21 =	vtrunc.f32 v21  }
0x16a: {  	v17 =	vcvt.f32.s32 v17;
	v21 =	vcvt.f32.s32 v21  }
0x16b: {  	v20 =	vtrunc.f32 v20  }
0x16c: {  	v20 =	vcvt.f32.s32 v20;
	vm7 =	vgt.s32 v17, $0x0;
	vm8 =	vgt.s32 v21, $0x0  }
0x16d: {  	v17 =	vnsel vm7, $0x0, v17;
	v21 =	vnsel vm8, $0x0, v21  }
0x16e: {  	vm9 =	vgt.s32 v20, $0x0;
	v17 =	vmin.u32 v17, $0x7F;
	v21 =	vmin.u32 v21, $0x7F  }
0x16f: {  	v20 =	vnsel vm9, $0x0, v20;
	v21 =	vshll.u32 v21, $0xE;
	v17 =	vshll.u32 v17, $0x7  }
0x170: {  	v20 =	vmin.u32 v20, $0x7F;
	v17 =	vor.u32 v17, v21  }
0x171: {  	v17 =	vor.u32 v20, v17  }
0x172: {  	[tilespmem:s23+$0x10] =	vst v17  }
0x173: {  	v14 =	vld.idx.msk [tilespmem:v14+s3+$0x0], $0xffff  }
0x174: {  	v13 =	vld.idx.msk [tilespmem:v13+s3+$0x0], $0xffff  }
0x175: {  	v17 =	vld.idx.msk [tilespmem:v18+s3+$0x0], $0xffff;
	_ =	sdelay $0x3  }
0x176: {  	v13 =	vmul.f32 $1.280000000e+02, v13;
	v14 =	vmul.f32 $1.280000000e+02, v14  }
0x177: {  	v17 =	vmul.f32 $1.280000000e+02, v17  }
0x178: {  	v13 =	vtrunc.f32 v13;
	v14 =	vtrunc.f32 v14  }
0x179: {  	v13 =	vcvt.f32.s32 v13;
	v14 =	vcvt.f32.s32 v14  }
0x17a: {  	v17 =	vtrunc.f32 v17  }
0x17b: {  	v17 =	vcvt.f32.s32 v17;
	vm10 =	vgt.s32 v13, $0x0;
	vm11 =	vgt.s32 v14, $0x0  }
0x17c: {  	v13 =	vnsel vm10, $0x0, v13;
	v14 =	vnsel vm11, $0x0, v14  }
0x17d: {  	vm12 =	vgt.s32 v17, $0x0;
	v13 =	vmin.u32 v13, $0x7F;
	v14 =	vmin.u32 v14, $0x7F  }
0x17e: {  	v17 =	vnsel vm12, $0x0, v17;
	v14 =	vshll.u32 v14, $0xE;
	v13 =	vshll.u32 v13, $0x7  }
0x17f: {  	v17 =	vmin.u32 v17, $0x7F;
	v13 =	vor.u32 v13, v14;
	v14 =	vor.u32 v4, v19  }
0x180: {  	v13 =	vor.u32 v17, v13  }
0x181: {  	[tilespmem:s22+$0xFFFFFFE0] =	vst v13  }
0x182: {  	v13 =	vld.idx.msk [tilespmem:v15+s3+$0x0], $0xffff  }
0x183: {  	v15 =	vld.idx.msk [tilespmem:v16+s3+$0x0], $0xffff  }
0x184: {  	v14 =	vld.idx.msk [tilespmem:v14+s3+$0x0], $0xffff;
	_ =	sdelay $0x3  }
0x185: {  	v13 =	vmul.f32 $1.280000000e+02, v13;
	v15 =	vmul.f32 $1.280000000e+02, v15  }
0x186: {  	v14 =	vmul.f32 $1.280000000e+02, v14  }
0x187: {  	v13 =	vtrunc.f32 v13;
	v15 =	vtrunc.f32 v15  }
0x188: {  	v13 =	vcvt.f32.s32 v13;
	v15 =	vcvt.f32.s32 v15  }
0x189: {  	v12 =	vor.u32 v5, v12;
	v14 =	vtrunc.f32 v14  }
0x18a: {  	v14 =	vcvt.f32.s32 v14;
	vm13 =	vgt.s32 v13, $0x0;
	vm14 =	vgt.s32 v15, $0x0  }
0x18b: {  	v11 =	vor.u32 v6, v11;
	v13 =	vnsel vm13, $0x0, v13;
	v15 =	vnsel vm14, $0x0, v15  }
0x18c: {  	vm15 =	vgt.s32 v14, $0x0;
	v13 =	vmin.u32 v13, $0x7F;
	v15 =	vmin.u32 v15, $0x7F  }
0x18d: {  	v14 =	vnsel vm15, $0x0, v14;
	v13 =	vshll.u32 v13, $0xE;
	v15 =	vshll.u32 v15, $0x7  }
0x18e: {  	v14 =	vmin.u32 v14, $0x7F;
	v13 =	vor.u32 v15, v13  }
0x18f: {  	v13 =	vor.u32 v14, v13  }
0x190: {  	[tilespmem:s22+$0xFFFFFFF0] =	vst v13  }
0x191: {  	v12 =	vld.idx.msk [tilespmem:v12+s3+$0x0], $0xffff  }
0x192: {  	v11 =	vld.idx.msk [tilespmem:v11+s3+$0x0], $0xffff  }
0x193: {  	v10 =	vld.idx.msk [tilespmem:v10+s3+$0x0], $0xffff;
	_ =	sdelay $0x3  }
0x194: {  	v12 =	vmul.f32 $1.280000000e+02, v12;
	v11 =	vmul.f32 $1.280000000e+02, v11  }
0x195: {  	v10 =	vmul.f32 $1.280000000e+02, v10  }
0x196: {  	v12 =	vtrunc.f32 v12;
	v11 =	vtrunc.f32 v11  }
0x197: {  	v12 =	vcvt.f32.s32 v12;
	v11 =	vcvt.f32.s32 v11  }
0x198: {  	v8 =	vor.u32 v5, v8;
	v10 =	vtrunc.f32 v10  }
0x199: {  	v10 =	vcvt.f32.s32 v10;
	vm4 =	vgt.s32 v12, $0x0;
	vm5 =	vgt.s32 v11, $0x0  }
0x19a: {  	v9 =	vor.u32 v6, v9;
	v12 =	vnsel vm4, $0x0, v12;
	v11 =	vnsel vm5, $0x0, v11  }
0x19b: {  	vm6 =	vgt.s32 v10, $0x0;
	v12 =	vmin.u32 v12, $0x7F;
	v11 =	vmin.u32 v11, $0x7F  }
0x19c: {  	v10 =	vnsel vm6, $0x0, v10;
	v11 =	vshll.u32 v11, $0xE;
	v12 =	vshll.u32 v12, $0x7  }
0x19d: {  	v7 =	vor.u32 v4, v7;
	v10 =	vmin.u32 v10, $0x7F;
	v11 =	vor.u32 v12, v11  }
0x19e: {  	v10 =	vor.u32 v10, v11  }
0x19f: {  	[tilespmem:s22+$0x0] =	vst v10  }
0x1a0: {  	v8 =	vld.idx.msk [tilespmem:v8+s3+$0x0], $0xffff  }
0x1a1: {  	v9 =	vld.idx.msk [tilespmem:v9+s3+$0x0], $0xffff  }
0x1a2: {  	v7 =	vld.idx.msk [tilespmem:v7+s3+$0x0], $0xffff;
	_ =	sdelay $0x3  }
0x1a3: {  	v8 =	vmul.f32 $1.280000000e+02, v8;
	v9 =	vmul.f32 $1.280000000e+02, v9  }
0x1a4: {  	v7 =	vmul.f32 $1.280000000e+02, v7  }
0x1a5: {  	v8 =	vtrunc.f32 v8;
	v9 =	vtrunc.f32 v9  }
0x1a6: {  	v8 =	vcvt.f32.s32 v8;
	v9 =	vcvt.f32.s32 v9  }
0x1a7: {  	v7 =	vtrunc.f32 v7  }
0x1a8: {  	v7 =	vcvt.f32.s32 v7;
	vm7 =	vgt.s32 v8, $0x0;
	vm8 =	vgt.s32 v9, $0x0  }
0x1a9: {  	v8 =	vnsel vm7, $0x0, v8;
	v9 =	vnsel vm8, $0x0, v9  }
0x1aa: {  	vm9 =	vgt.s32 v7, $0x0;
	v8 =	vmin.u32 v8, $0x7F;
	v9 =	vmin.u32 v9, $0x7F  }
0x1ab: {  	v7 =	vnsel vm9, $0x0, v7;
	v9 =	vshll.u32 v9, $0xE;
	v8 =	vshll.u32 v8, $0x7  }
0x1ac: {  	v7 =	vmin.u32 v7, $0x7F;
	v8 =	vor.u32 v8, v9  }
0x1ad: {  	v7 =	vor.u32 v7, v8  }
0x1ae: {  	[tilespmem:s22+$0x10] =	vst v7  }
0x1af: {  	[tilespmem:s17], [sflag:$0x1] =	stream.indirect.gather [hbm4b:s1+s15], $0x1, s16, s15, $0xb8;
	[tilespmem:$0x1A000] =	vst v63  }
0x1b0: {  	_ =	swait.ge [sflag:s18], $0x2000  }
0x1b1: {  	[sflag:s18] =	ssyncset.done $0x0  }
0x1b2: {  	[sflag:s18] =	ssyncadd.s32 $0xFFFFE000  }
0x1b3: {  	[tilespmem:s19], [sflag:$0x2] =	stream.indirect.gather [hbm4b:s4+s15], $0x3, s17, s15, $0xb8;
	[tilespmem:$0x1A000] =	vst v63  }
0x1b4: {  	_ =	swait.ge [sflag:s20], $0x6000  }
0x1b5: {  	[sflag:s20] =	ssyncset.done $0x0  }
0x1b6: {  	s25 =	simm.s32 $0x0;
	[sflag:s20] =	ssyncadd.s32 $0xFFFFA000  }
0x1b7: {  	[hbm4b:s8+s25] =	stream.linear.scatter [tilespmem:s19], [sflag:$0x3], $0x10000, $0x38;
	[tilespmem:$0x1A000] =	vst v63  }
0x1b8: {  	_ =	swait.ge [sflag:s14], $0x10000  }
0x1b9: {  	[sflag:s14] =	ssyncset.done $0x0  }
0x1ba: {  	v7 =	vor.u32 s25, v3;
	[sflag:s14] =	ssyncadd.s32 $0xFFFF0000  }
0x1bb: {  	v9 =	vor.u32 s25, v0;
	v8 =	vor.u32 s25, v2;
	[tilespmem:s25], [sflag:$0x3] =	stream.linear.gather [hbm4b:s9+s25], $0x6000, $0x38;
	[tilespmem:$0x1A000] =	vst v63  }
0x1bc: {  	v9 =	vand.u32 v1, v9;
	_ =	swait.ge [sflag:s14], $0x6000  }
0x1bd: {  	[sflag:s14] =	ssyncset.done $0x0  }
0x1be: {  	[sflag:s14] =	ssyncadd.s32 $0xFFFFA000  }
0x1bf: {  	v7 =	vld.idx.msk [tilespmem:v7+s3+$0x0], $0xffff  }
0x1c0: {  	v8 =	vld.idx.msk [tilespmem:v8+s3+$0x0], $0xffff  }
0x1c1: {  	s28 =	simm.s32 $0x30;
	s30 =	simm.s32 $0x150;
	v9 =	vld.idx.msk [tilespmem:v9+s3+$0x0], $0xffff  }
0x1c2: {  	s26 =	simm.s32 $0x60;
	s31 =	simm.s32 $0xF0;
	v25 =	vadd.s32 s30, v0;
	v13 =	vadd.s32 s28, v2  }
0x1c3: {  	v26 =	vadd.s32 s31, v3;
	v13 =	vand.u32 $0x7FFFFFF8, v13;
	v12 =	vadd.s32 s26, v3  }
0x1c4: {  	v27 =	vadd.s32 s31, v2;
	v15 =	vor.u32 v5, v13;
	v24 =	vand.u32 $0x7FFFFFF8, v12  }
0x1c5: {  	v10 =	vadd.s32 s26, v0;
	v8 =	vmul.f32 $1.280000000e+02, v8;
	v7 =	vmul.f32 $1.280000000e+02, v7  }
0x1c6: {  	v12 =	vadd.s32 s28, v0;
	v10 =	vand.u32 $0x7FFFFFF8, v10;
	v9 =	vmul.f32 $1.280000000e+02, v9  }
0x1c7: {  	v17 =	vor.u32 v4, v10;
	v8 =	vtrunc.f32 v8;
	v7 =	vtrunc.f32 v7  }
0x1c8: {  	v10 =	vadd.s32 s28, v3;
	v8 =	vcvt.f32.s32 v8;
	v7 =	vcvt.f32.s32 v7  }
0x1c9: {  	v12 =	vand.u32 $0x7FFFFFF8, v12;
	v10 =	vand.u32 $0x7FFFFFF8, v10;
	v9 =	vtrunc.f32 v9  }
0x1ca: {  	v9 =	vcvt.f32.s32 v9;
	vm10 =	vgt.s32 v8, $0x0;
	vm11 =	vgt.s32 v7, $0x0  }
0x1cb: {  	v10 =	vor.u32 v6, v10;
	v8 =	vnsel vm10, $0x0, v8;
	v7 =	vnsel vm11, $0x0, v7  }
0x1cc: {  	vm12 =	vgt.s32 v9, $0x0;
	v8 =	vmin.u32 v8, $0x7F;
	v7 =	vmin.u32 v7, $0x7F  }
0x1cd: {  	v9 =	vnsel vm12, $0x0, v9;
	v7 =	vshll.u32 v7, $0xE;
	v8 =	vshll.u32 v8, $0x7  }
0x1ce: {  	v9 =	vmin.u32 v9, $0x7F;
	v7 =	vor.u32 v8, v7;
	v8 =	vor.u32 v4, v12  }
0x1cf: {  	s24 =	simm.s32 $0x90;
	v26 =	vand.u32 $0x7FFFFFF8, v26;
	s23 =	simm.s32 $0x6020;
	v11 =	vadd.s32 s26, v2;
	v7 =	vor.u32 v9, v7  }
0x1d0: {  	v13 =	vadd.s32 s24, v0;
	v23 =	vand.u32 $0x7FFFFFF8, v11;
	v11 =	vadd.s32 s24, v2;
	[tilespmem:s23+$0xFFFFFFE0] =	vst v7  }
0x1d1: {  	v20 =	vand.u32 $0x7FFFFFF8, v13;
	v22 =	vand.u32 $0x7FFFFFF8, v11;
	v12 =	vadd.s32 s24, v3;
	s24 =	simm.s32 $0xC0;
	v16 =	vld.idx.msk [tilespmem:v10+s3+$0x0], $0xffff  }
0x1d2: {  	s29 =	simm.s32 $0x120;
	v21 =	vand.u32 $0x7FFFFFF8, v12;
	v13 =	vor.u32 s24, v2;
	v14 =	vor.u32 s24, v3;
	v15 =	vld.idx.msk [tilespmem:v15+s3+$0x0], $0xffff  }
0x1d3: {  	v9 =	vadd.s32 s29, v2;
	v18 =	vor.u32 s24, v0;
	v7 =	vadd.s32 s29, v0;
	v19 =	vld.idx.msk [tilespmem:v8+s3+$0x0], $0xffff  }
0x1d4: {  	v12 =	vand.u32 $0x7FFFFFF8, v9;
	v10 =	vadd.s32 s29, v3;
	v7 =	vand.u32 $0x7FFFFFF8, v7  }
0x1d5: {  	v18 =	vand.u32 v1, v18;
	v11 =	vand.u32 $0x7FFFFFF8, v10;
	v10 =	vor.u32 v4, v7  }
0x1d6: {  	v7 =	vadd.s32 s30, v3;
	v8 =	vadd.s32 s30, v2;
	v16 =	vmul.f32 $1.280000000e+02, v16  }
0x1d7: {  	v9 =	vand.u32 $0x7FFFFFF8, v7;
	v7 =	vand.u32 $0x7FFFFFF8, v25;
	v15 =	vmul.f32 $1.280000000e+02, v15  }
0x1d8: {  	v25 =	vadd.s32 s31, v0;
	v19 =	vmul.f32 $1.280000000e+02, v19;
	v16 =	vtrunc.f32 v16  }
0x1d9: {  	v8 =	vand.u32 $0x7FFFFFF8, v8;
	v15 =	vtrunc.f32 v15;
	v28 =	vcvt.f32.s32 v16  }
0x1da: {  	v16 =	vand.u32 $0x7FFFFFF8, v27;
	v27 =	vcvt.f32.s32 v15;
	v19 =	vtrunc.f32 v19  }
0x1db: {  	v15 =	vor.u32 v6, v26;
	v26 =	vcvt.f32.s32 v19;
	vm13 =	vgt.s32 v28, $0x0  }
0x1dc: {  	v19 =	vand.u32 $0x7FFFFFF8, v25;
	vm14 =	vgt.s32 v27, $0x0;
	v25 =	vnsel vm13, $0x0, v28  }
0x1dd: {  	v27 =	vnsel vm14, $0x0, v27;
	vm15 =	vgt.s32 v26, $0x0;
	v25 =	vmin.u32 v25, $0x7F  }
0x1de: {  	v27 =	vmin.u32 v27, $0x7F;
	v28 =	vnsel vm15, $0x0, v26;
	v26 =	vor.u32 v5, v23  }
0x1df: {  	v25 =	vshll.u32 v25, $0xE;
	v29 =	vshll.u32 v27, $0x7;
	v27 =	vor.u32 v6, v24  }
0x1e0: {  	s26 =	simm.s32 $0x6060;
	s22 =	simm.s32 $0x6060;
	s25 =	simm.s32 $0x4;
	v16 =	vor.u32 v5, v16;
	v23 =	vmin.u32 v28, $0x7F;
	v24 =	vor.u32 v29, v25  }
.LBB2_6:
0x1e1: {  	s25 =	sadd.s32 $0x4, s25;
	s24 =	sadd.s32 $0xC0, s24;
	s26 =	sadd.s32 $0x40, s26;
	v23 =	vor.u32 v23, v24  }
0x1e2: {  	v25 =	vor.u32 s24, v2;
	v28 =	vor.u32 s24, v3;
	s28 =	sadd.s32 $0x60, s24;
	s29 =	sadd.s32 $0x90, s24;
	p0 =	slt.u32 s25, $0x1FC;
	[tilespmem:s23+$0xFFFFFFF0] =	vst v23  }
0x1e3: {  	v29 =	vadd.s32 s28, v0;
	v23 =	vadd.s32 s28, v2;
	v30 =	vadd.s32 s28, v3;
	v26 =	vld.idx.msk [tilespmem:v26+s3+$0x0], $0xffff  }
0x1e4: {  	v31 =	vor.u32 s24, v0;
	v24 =	vand.u32 $0x7FFFFFF8, v23;
	v23 =	vand.u32 $0x7FFFFFF8, v30;
	v27 =	vld.idx.msk [tilespmem:v27+s3+$0x0], $0xffff  }
0x1e5: {  	v30 =	vand.u32 v1, v31;
	v29 =	vand.u32 $0x7FFFFFF8, v29;
	v31 =	vadd.s32 s29, v2  }
0x1e6: {  	v32 =	vadd.s32 s29, v3;
	v31 =	vand.u32 $0x7FFFFFF8, v31;
	v33 =	vld.idx.msk [tilespmem:v17+s3+$0x0], $0xffff;
	v17 =	vmovc v10;
	v10 =	vor.u32 v4, v29  }
0x1e7: {  	v32 =	vand.u32 $0x7FFFFFF8, v32;
	v29 =	vadd.s32 s29, v0  }
0x1e8: {  	v29 =	vand.u32 $0x7FFFFFF8, v29  }
0x1e9: {  	v26 =	vmul.f32 $1.280000000e+02, v26  }
0x1ea: {  	v27 =	vmul.f32 $1.280000000e+02, v27  }
0x1eb: {  	v26 =	vtrunc.f32 v26  }
0x1ec: {  	v26 =	vcvt.f32.s32 v26;
	v27 =	vtrunc.f32 v27  }
0x1ed: {  	v33 =	vmul.f32 $1.280000000e+02, v33;
	v27 =	vcvt.f32.s32 v27  }
0x1ee: {  	vm0 =	vgt.s32 v26, $0x0  }
0x1ef: {  	v33 =	vtrunc.f32 v33;
	v26 =	vnsel vm0, $0x0, v26;
	vm0 =	vgt.s32 v27, $0x0  }
0x1f0: {  	v33 =	vcvt.f32.s32 v33;
	v26 =	vmin.u32 v26, $0x7F;
	v27 =	vnsel vm0, $0x0, v27  }
0x1f1: {  	v27 =	vmin.u32 v27, $0x7F  }
0x1f2: {  	v34 =	vor.u32 v5, v22;
	v22 =	vmovc v8;
	v8 =	vmovc v31;
	vm0 =	vgt.s32 v33, $0x0;
	v27 =	vshll.u32 v27, $0xE  }
0x1f3: {  	v26 =	vshll.u32 v26, $0x7;
	v31 =	vnsel vm0, $0x0, v33;
	v33 =	vor.u32 v6, v21;
	v21 =	vmovc v9;
	v9 =	vmovc v32  }
0x1f4: {  	v31 =	vmin.u32 v31, $0x7F;
	v26 =	vor.u32 v26, v27;
	v27 =	vor.u32 v4, v20;
	v20 =	vmovc v7;
	v7 =	vmovc v29  }
0x1f5: {  	v26 =	vor.u32 v31, v26  }
0x1f6: {  	[tilespmem:s23+$0x0] =	vst v26  }
0x1f7: {  	v26 =	vld.idx.msk [tilespmem:v34+s3+$0x0], $0xffff  }
0x1f8: {  	v29 =	vld.idx.msk [tilespmem:v33+s3+$0x0], $0xffff  }
0x1f9: {  	v27 =	vld.idx.msk [tilespmem:v27+s3+$0x0], $0xffff;
	_ =	sdelay $0x3  }
0x1fa: {  	v26 =	vmul.f32 $1.280000000e+02, v26  }
0x1fb: {  	v29 =	vmul.f32 $1.280000000e+02, v29  }
0x1fc: {  	v27 =	vmul.f32 $1.280000000e+02, v27;
	v26 =	vtrunc.f32 v26  }
0x1fd: {  	v26 =	vcvt.f32.s32 v26;
	v29 =	vtrunc.f32 v29  }
0x1fe: {  	v27 =	vtrunc.f32 v27;
	v29 =	vcvt.f32.s32 v29  }
0x1ff: {  	v27 =	vcvt.f32.s32 v27;
	vm0 =	vgt.s32 v26, $0x0  }
0x200: {  	v26 =	vnsel vm0, $0x0, v26;
	vm0 =	vgt.s32 v29, $0x0  }
0x201: {  	vm1 =	vgt.s32 v27, $0x0;
	v26 =	vmin.u32 v26, $0x7F;
	v29 =	vnsel vm0, $0x0, v29  }
0x202: {  	v27 =	vnsel vm1, $0x0, v27;
	v29 =	vmin.u32 v29, $0x7F  }
0x203: {  	v26 =	vshll.u32 v26, $0x7;
	v29 =	vshll.u32 v29, $0xE  }
0x204: {  	v27 =	vmin.u32 v27, $0x7F;
	v26 =	vor.u32 v26, v29  }
0x205: {  	v26 =	vor.u32 v27, v26  }
0x206: {  	[tilespmem:s23+$0x10] =	vst v26;
	s23 =	smov.u32 s22;
	s22 =	smov.u32 s26  }
0x207: {  	v26 =	vld.idx.msk [tilespmem:v14+s3+$0x0], $0xffff;
	v14 =	vmov v28  }
0x208: {  	v27 =	vld.idx.msk [tilespmem:v13+s3+$0x0], $0xffff;
	v13 =	vmov v25  }
0x209: {  	v25 =	vld.idx.msk [tilespmem:v18+s3+$0x0], $0xffff;
	v18 =	vmov v30;
	_ =	sdelay $0x2  }
0x20a: {  	s28 =	sadd.s32 $0x30, s24  }
0x20b: {  	v29 =	vadd.s32 s28, v3;
	v28 =	vadd.s32 s28, v0  }
0x20c: {  	v29 =	vand.u32 $0x7FFFFFF8, v29;
	v26 =	vmul.f32 $1.280000000e+02, v26;
	v27 =	vmul.f32 $1.280000000e+02, v27  }
0x20d: {  	v29 =	vor.u32 v6, v29;
	v30 =	vadd.s32 s28, v2;
	v25 =	vmul.f32 $1.280000000e+02, v25  }
0x20e: {  	v30 =	vand.u32 $0x7FFFFFF8, v30;
	v26 =	vtrunc.f32 v26;
	v27 =	vtrunc.f32 v27  }
0x20f: {  	v30 =	vor.u32 v5, v30;
	v26 =	vcvt.f32.s32 v26;
	v27 =	vcvt.f32.s32 v27  }
0x210: {  	v28 =	vand.u32 $0x7FFFFFF8, v28;
	v25 =	vtrunc.f32 v25  }
0x211: {  	v25 =	vcvt.f32.s32 v25;
	vm1 =	vgt.s32 v26, $0x0;
	vm0 =	vgt.s32 v27, $0x0  }
0x212: {  	v26 =	vnsel vm1, $0x0, v26;
	v27 =	vnsel vm0, $0x0, v27  }
0x213: {  	vm0 =	vgt.s32 v25, $0x0;
	v26 =	vmin.u32 v26, $0x7F;
	v27 =	vmin.u32 v27, $0x7F  }
0x214: {  	v25 =	vnsel vm0, $0x0, v25;
	v26 =	vshll.u32 v26, $0xE;
	v27 =	vshll.u32 v27, $0x7  }
0x215: {  	v25 =	vmin.u32 v25, $0x7F;
	v26 =	vor.u32 v27, v26;
	v27 =	vor.u32 v4, v19;
	v19 =	vmovc v28  }
0x216: {  	v25 =	vor.u32 v25, v26  }
0x217: {  	[tilespmem:s23+$0xFFFFFFE0] =	vst v25  }
0x218: {  	v25 =	vld.idx.msk [tilespmem:v15+s3+$0x0], $0xffff;
	v15 =	vmov v29  }
0x219: {  	v26 =	vld.idx.msk [tilespmem:v16+s3+$0x0], $0xffff;
	v16 =	vmov v30  }
0x21a: {  	v27 =	vld.idx.msk [tilespmem:v27+s3+$0x0], $0xffff;
	_ =	sdelay $0x3  }
0x21b: {  	v25 =	vmul.f32 $1.280000000e+02, v25  }
0x21c: {  	v26 =	vmul.f32 $1.280000000e+02, v26  }
0x21d: {  	v27 =	vmul.f32 $1.280000000e+02, v27;
	v25 =	vtrunc.f32 v25  }
0x21e: {  	v26 =	vtrunc.f32 v26;
	v25 =	vcvt.f32.s32 v25  }
0x21f: {  	v27 =	vtrunc.f32 v27;
	v26 =	vcvt.f32.s32 v26  }
0x220: {  	v27 =	vcvt.f32.s32 v27;
	vm0 =	vgt.s32 v25, $0x0  }
.Ltmp2:
0x221: {  	vm1 =	vgt.s32 v26, $0x0;
	v25 =	vnsel vm0, $0x0, v25;
	(pc) =	sbr.rel @p0 .LBB2_6-.Ltmp2, $4  }
0x222: {  	vm0 =	vgt.s32 v27, $0x0;
	v26 =	vnsel vm1, $0x0, v26;
	v25 =	vmin.u32 v25, $0x7F  }
0x223: {  	v28 =	vnsel vm0, $0x0, v27;
	v27 =	vmin.u32 v26, $0x7F;
	v26 =	vor.u32 v5, v12;
	v12 =	vmovc v24  }
0x224: {  	v24 =	vshll.u32 v25, $0xE;
	v25 =	vshll.u32 v27, $0x7;
	v27 =	vor.u32 v6, v11;
	v11 =	vmovc v23  }
0x225: {  	v23 =	vmin.u32 v28, $0x7F;
	v24 =	vor.u32 v25, v24  }
0x226: {  	_ =	sdelay $0x1  }
0x227: {  	v23 =	vor.u32 v23, v24  }
0x228: {  	[tilespmem:s23+$0xFFFFFFF0] =	vst v23  }
0x229: {  	v23 =	vld.idx.msk [tilespmem:v26+s3+$0x0], $0xffff  }
0x22a: {  	v24 =	vld.idx.msk [tilespmem:v27+s3+$0x0], $0xffff  }
0x22b: {  	v17 =	vld.idx.msk [tilespmem:v17+s3+$0x0], $0xffff;
	_ =	sdelay $0x3  }
0x22c: {  	v23 =	vmul.f32 $1.280000000e+02, v23;
	v24 =	vmul.f32 $1.280000000e+02, v24  }
0x22d: {  	v17 =	vmul.f32 $1.280000000e+02, v17  }
0x22e: {  	v23 =	vtrunc.f32 v23;
	v24 =	vtrunc.f32 v24  }
0x22f: {  	v23 =	vcvt.f32.s32 v23;
	v24 =	vcvt.f32.s32 v24  }
0x230: {  	v22 =	vor.u32 v5, v22;
	v17 =	vtrunc.f32 v17  }
0x231: {  	v17 =	vcvt.f32.s32 v17;
	vm0 =	vgt.s32 v23, $0x0;
	vm1 =	vgt.s32 v24, $0x0  }
0x232: {  	v21 =	vor.u32 v6, v21;
	v23 =	vnsel vm0, $0x0, v23;
	v24 =	vnsel vm1, $0x0, v24  }
0x233: {  	vm6 =	vgt.s32 v17, $0x0;
	v23 =	vmin.u32 v23, $0x7F;
	v24 =	vmin.u32 v24, $0x7F  }
0x234: {  	v17 =	vnsel vm6, $0x0, v17;
	v24 =	vshll.u32 v24, $0xE;
	v23 =	vshll.u32 v23, $0x7  }
0x235: {  	v20 =	vor.u32 v4, v20;
	v17 =	vmin.u32 v17, $0x7F;
	v23 =	vor.u32 v23, v24  }
0x236: {  	v17 =	vor.u32 v17, v23  }
0x237: {  	[tilespmem:s23+$0x0] =	vst v17  }
0x238: {  	v17 =	vld.idx.msk [tilespmem:v22+s3+$0x0], $0xffff  }
0x239: {  	v21 =	vld.idx.msk [tilespmem:v21+s3+$0x0], $0xffff  }
0x23a: {  	v20 =	vld.idx.msk [tilespmem:v20+s3+$0x0], $0xffff;
	_ =	sdelay $0x3  }
0x23b: {  	v17 =	vmul.f32 $1.280000000e+02, v17;
	v21 =	vmul.f32 $1.280000000e+02, v21  }
0x23c: {  	v20 =	vmul.f32 $1.280000000e+02, v20  }
0x23d: {  	v17 =	vtrunc.f32 v17;
	v21 =	vtrunc.f32 v21  }
0x23e: {  	v17 =	vcvt.f32.s32 v17;
	v21 =	vcvt.f32.s32 v21  }
0x23f: {  	v20 =	vtrunc.f32 v20  }
0x240: {  	v20 =	vcvt.f32.s32 v20;
	vm7 =	vgt.s32 v17, $0x0;
	vm8 =	vgt.s32 v21, $0x0  }
0x241: {  	v17 =	vnsel vm7, $0x0, v17;
	v21 =	vnsel vm8, $0x0, v21  }
0x242: {  	vm9 =	vgt.s32 v20, $0x0;
	v17 =	vmin.u32 v17, $0x7F;
	v21 =	vmin.u32 v21, $0x7F  }
0x243: {  	v20 =	vnsel vm9, $0x0, v20;
	v21 =	vshll.u32 v21, $0xE;
	v17 =	vshll.u32 v17, $0x7  }
0x244: {  	v20 =	vmin.u32 v20, $0x7F;
	v17 =	vor.u32 v17, v21  }
0x245: {  	v17 =	vor.u32 v20, v17  }
0x246: {  	[tilespmem:s23+$0x10] =	vst v17  }
0x247: {  	v14 =	vld.idx.msk [tilespmem:v14+s3+$0x0], $0xffff  }
0x248: {  	v13 =	vld.idx.msk [tilespmem:v13+s3+$0x0], $0xffff  }
0x249: {  	v17 =	vld.idx.msk [tilespmem:v18+s3+$0x0], $0xffff;
	_ =	sdelay $0x3  }
0x24a: {  	v13 =	vmul.f32 $1.280000000e+02, v13;
	v14 =	vmul.f32 $1.280000000e+02, v14  }
0x24b: {  	v17 =	vmul.f32 $1.280000000e+02, v17  }
0x24c: {  	v13 =	vtrunc.f32 v13;
	v14 =	vtrunc.f32 v14  }
0x24d: {  	v13 =	vcvt.f32.s32 v13;
	v14 =	vcvt.f32.s32 v14  }
0x24e: {  	v17 =	vtrunc.f32 v17  }
0x24f: {  	v17 =	vcvt.f32.s32 v17;
	vm10 =	vgt.s32 v13, $0x0;
	vm11 =	vgt.s32 v14, $0x0  }
0x250: {  	v13 =	vnsel vm10, $0x0, v13;
	v14 =	vnsel vm11, $0x0, v14  }
0x251: {  	vm12 =	vgt.s32 v17, $0x0;
	v13 =	vmin.u32 v13, $0x7F;
	v14 =	vmin.u32 v14, $0x7F  }
0x252: {  	v17 =	vnsel vm12, $0x0, v17;
	v14 =	vshll.u32 v14, $0xE;
	v13 =	vshll.u32 v13, $0x7  }
0x253: {  	v17 =	vmin.u32 v17, $0x7F;
	v13 =	vor.u32 v13, v14;
	v14 =	vor.u32 v4, v19  }
0x254: {  	v13 =	vor.u32 v17, v13  }
0x255: {  	[tilespmem:s22+$0xFFFFFFE0] =	vst v13  }
0x256: {  	v13 =	vld.idx.msk [tilespmem:v15+s3+$0x0], $0xffff  }
0x257: {  	v15 =	vld.idx.msk [tilespmem:v16+s3+$0x0], $0xffff  }
0x258: {  	v14 =	vld.idx.msk [tilespmem:v14+s3+$0x0], $0xffff;
	_ =	sdelay $0x3  }
0x259: {  	v13 =	vmul.f32 $1.280000000e+02, v13;
	v15 =	vmul.f32 $1.280000000e+02, v15  }
0x25a: {  	v14 =	vmul.f32 $1.280000000e+02, v14  }
0x25b: {  	v13 =	vtrunc.f32 v13;
	v15 =	vtrunc.f32 v15  }
0x25c: {  	v13 =	vcvt.f32.s32 v13;
	v15 =	vcvt.f32.s32 v15  }
0x25d: {  	v12 =	vor.u32 v5, v12;
	v14 =	vtrunc.f32 v14  }
0x25e: {  	v14 =	vcvt.f32.s32 v14;
	vm13 =	vgt.s32 v13, $0x0;
	vm14 =	vgt.s32 v15, $0x0  }
0x25f: {  	v11 =	vor.u32 v6, v11;
	v13 =	vnsel vm13, $0x0, v13;
	v15 =	vnsel vm14, $0x0, v15  }
0x260: {  	vm15 =	vgt.s32 v14, $0x0;
	v13 =	vmin.u32 v13, $0x7F;
	v15 =	vmin.u32 v15, $0x7F  }
0x261: {  	v14 =	vnsel vm15, $0x0, v14;
	v13 =	vshll.u32 v13, $0xE;
	v15 =	vshll.u32 v15, $0x7  }
0x262: {  	v14 =	vmin.u32 v14, $0x7F;
	v13 =	vor.u32 v15, v13  }
0x263: {  	v13 =	vor.u32 v14, v13  }
0x264: {  	[tilespmem:s22+$0xFFFFFFF0] =	vst v13  }
0x265: {  	v12 =	vld.idx.msk [tilespmem:v12+s3+$0x0], $0xffff  }
0x266: {  	v11 =	vld.idx.msk [tilespmem:v11+s3+$0x0], $0xffff  }
0x267: {  	v10 =	vld.idx.msk [tilespmem:v10+s3+$0x0], $0xffff;
	_ =	sdelay $0x3  }
0x268: {  	v12 =	vmul.f32 $1.280000000e+02, v12;
	v11 =	vmul.f32 $1.280000000e+02, v11  }
0x269: {  	v10 =	vmul.f32 $1.280000000e+02, v10  }
0x26a: {  	v12 =	vtrunc.f32 v12;
	v11 =	vtrunc.f32 v11  }
0x26b: {  	v12 =	vcvt.f32.s32 v12;
	v11 =	vcvt.f32.s32 v11  }
0x26c: {  	v8 =	vor.u32 v5, v8;
	v10 =	vtrunc.f32 v10  }
0x26d: {  	v10 =	vcvt.f32.s32 v10;
	vm4 =	vgt.s32 v12, $0x0;
	vm5 =	vgt.s32 v11, $0x0  }
0x26e: {  	v9 =	vor.u32 v6, v9;
	v12 =	vnsel vm4, $0x0, v12;
	v11 =	vnsel vm5, $0x0, v11  }
0x26f: {  	vm6 =	vgt.s32 v10, $0x0;
	v12 =	vmin.u32 v12, $0x7F;
	v11 =	vmin.u32 v11, $0x7F  }
0x270: {  	v10 =	vnsel vm6, $0x0, v10;
	v11 =	vshll.u32 v11, $0xE;
	v12 =	vshll.u32 v12, $0x7  }
0x271: {  	v7 =	vor.u32 v4, v7;
	v10 =	vmin.u32 v10, $0x7F;
	v11 =	vor.u32 v12, v11  }
0x272: {  	v10 =	vor.u32 v10, v11  }
0x273: {  	[tilespmem:s22+$0x0] =	vst v10  }
0x274: {  	v8 =	vld.idx.msk [tilespmem:v8+s3+$0x0], $0xffff  }
0x275: {  	v9 =	vld.idx.msk [tilespmem:v9+s3+$0x0], $0xffff  }
0x276: {  	v7 =	vld.idx.msk [tilespmem:v7+s3+$0x0], $0xffff;
	_ =	sdelay $0x3  }
0x277: {  	v8 =	vmul.f32 $1.280000000e+02, v8;
	v9 =	vmul.f32 $1.280000000e+02, v9  }
0x278: {  	v7 =	vmul.f32 $1.280000000e+02, v7  }
0x279: {  	v8 =	vtrunc.f32 v8;
	v9 =	vtrunc.f32 v9  }
0x27a: {  	v8 =	vcvt.f32.s32 v8;
	v9 =	vcvt.f32.s32 v9  }
0x27b: {  	v7 =	vtrunc.f32 v7  }
0x27c: {  	v7 =	vcvt.f32.s32 v7;
	vm7 =	vgt.s32 v8, $0x0;
	vm8 =	vgt.s32 v9, $0x0  }
0x27d: {  	v8 =	vnsel vm7, $0x0, v8;
	v9 =	vnsel vm8, $0x0, v9  }
0x27e: {  	vm9 =	vgt.s32 v7, $0x0;
	v8 =	vmin.u32 v8, $0x7F;
	v9 =	vmin.u32 v9, $0x7F  }
0x27f: {  	v7 =	vnsel vm9, $0x0, v7;
	v9 =	vshll.u32 v9, $0xE;
	v8 =	vshll.u32 v8, $0x7  }
0x280: {  	v7 =	vmin.u32 v7, $0x7F;
	v8 =	vor.u32 v8, v9  }
0x281: {  	v7 =	vor.u32 v7, v8  }
0x282: {  	[tilespmem:s22+$0x10] =	vst v7  }
0x283: {  	[tilespmem:s17], [sflag:$0x1] =	stream.indirect.gather [hbm4b:s1+s15], $0x1, s16, s15, $0xb8;
	[tilespmem:$0x1A000] =	vst v63  }
0x284: {  	_ =	swait.ge [sflag:s18], $0x2000  }
0x285: {  	[sflag:s18] =	ssyncset.done $0x0  }
0x286: {  	[sflag:s18] =	ssyncadd.s32 $0xFFFFE000  }
0x287: {  	[tilespmem:s19], [sflag:$0x2] =	stream.indirect.gather [hbm4b:s4+s15], $0x3, s17, s15, $0xb8;
	[tilespmem:$0x1A000] =	vst v63  }
0x288: {  	_ =	swait.ge [sflag:s20], $0x6000  }
0x289: {  	[sflag:s20] =	ssyncset.done $0x0  }
0x28a: {  	s25 =	simm.s32 $0x0;
	[sflag:s20] =	ssyncadd.s32 $0xFFFFA000  }
0x28b: {  	[hbm4b:s10+s25] =	stream.linear.scatter [tilespmem:s19], [sflag:$0x3], $0x10000, $0x38;
	[tilespmem:$0x1A000] =	vst v63  }
0x28c: {  	_ =	swait.ge [sflag:s14], $0x10000  }
0x28d: {  	[sflag:s14] =	ssyncset.done $0x0  }
0x28e: {  	v7 =	vor.u32 s25, v3;
	[sflag:s14] =	ssyncadd.s32 $0xFFFF0000  }
0x28f: {  	v9 =	vor.u32 s25, v0;
	v8 =	vor.u32 s25, v2;
	[tilespmem:s25], [sflag:$0x3] =	stream.linear.gather [hbm4b:s11+s25], $0x6000, $0x38;
	[tilespmem:$0x1A000] =	vst v63  }
0x290: {  	v9 =	vand.u32 v1, v9;
	_ =	swait.ge [sflag:s14], $0x6000  }
0x291: {  	[sflag:s14] =	ssyncset.done $0x0  }
0x292: {  	[sflag:s14] =	ssyncadd.s32 $0xFFFFA000  }
0x293: {  	v7 =	vld.idx.msk [tilespmem:v7+s3+$0x0], $0xffff  }
0x294: {  	v8 =	vld.idx.msk [tilespmem:v8+s3+$0x0], $0xffff  }
0x295: {  	s28 =	simm.s32 $0x30;
	s30 =	simm.s32 $0x150;
	v9 =	vld.idx.msk [tilespmem:v9+s3+$0x0], $0xffff  }
0x296: {  	s26 =	simm.s32 $0x60;
	s31 =	simm.s32 $0xF0;
	v25 =	vadd.s32 s30, v0;
	v13 =	vadd.s32 s28, v2  }
0x297: {  	v26 =	vadd.s32 s31, v3;
	v13 =	vand.u32 $0x7FFFFFF8, v13;
	v12 =	vadd.s32 s26, v3  }
0x298: {  	v27 =	vadd.s32 s31, v2;
	v15 =	vor.u32 v5, v13;
	v24 =	vand.u32 $0x7FFFFFF8, v12  }
0x299: {  	v10 =	vadd.s32 s26, v0;
	v8 =	vmul.f32 $1.280000000e+02, v8;
	v7 =	vmul.f32 $1.280000000e+02, v7  }
0x29a: {  	v12 =	vadd.s32 s28, v0;
	v10 =	vand.u32 $0x7FFFFFF8, v10;
	v9 =	vmul.f32 $1.280000000e+02, v9  }
0x29b: {  	v17 =	vor.u32 v4, v10;
	v8 =	vtrunc.f32 v8;
	v7 =	vtrunc.f32 v7  }
0x29c: {  	v10 =	vadd.s32 s28, v3;
	v8 =	vcvt.f32.s32 v8;
	v7 =	vcvt.f32.s32 v7  }
0x29d: {  	v12 =	vand.u32 $0x7FFFFFF8, v12;
	v10 =	vand.u32 $0x7FFFFFF8, v10;
	v9 =	vtrunc.f32 v9  }
0x29e: {  	v9 =	vcvt.f32.s32 v9;
	vm10 =	vgt.s32 v8, $0x0;
	vm11 =	vgt.s32 v7, $0x0  }
0x29f: {  	v10 =	vor.u32 v6, v10;
	v8 =	vnsel vm10, $0x0, v8;
	v7 =	vnsel vm11, $0x0, v7  }
0x2a0: {  	vm12 =	vgt.s32 v9, $0x0;
	v8 =	vmin.u32 v8, $0x7F;
	v7 =	vmin.u32 v7, $0x7F  }
0x2a1: {  	v9 =	vnsel vm12, $0x0, v9;
	v7 =	vshll.u32 v7, $0xE;
	v8 =	vshll.u32 v8, $0x7  }
0x2a2: {  	v9 =	vmin.u32 v9, $0x7F;
	v7 =	vor.u32 v8, v7;
	v8 =	vor.u32 v4, v12  }
0x2a3: {  	s24 =	simm.s32 $0x90;
	v26 =	vand.u32 $0x7FFFFFF8, v26;
	s23 =	simm.s32 $0x6020;
	v11 =	vadd.s32 s26, v2;
	v7 =	vor.u32 v9, v7  }
0x2a4: {  	v13 =	vadd.s32 s24, v0;
	v23 =	vand.u32 $0x7FFFFFF8, v11;
	v11 =	vadd.s32 s24, v2;
	[tilespmem:s23+$0xFFFFFFE0] =	vst v7  }
0x2a5: {  	v20 =	vand.u32 $0x7FFFFFF8, v13;
	v22 =	vand.u32 $0x7FFFFFF8, v11;
	v12 =	vadd.s32 s24, v3;
	s24 =	simm.s32 $0xC0;
	v16 =	vld.idx.msk [tilespmem:v10+s3+$0x0], $0xffff  }
0x2a6: {  	s29 =	simm.s32 $0x120;
	v21 =	vand.u32 $0x7FFFFFF8, v12;
	v13 =	vor.u32 s24, v2;
	v14 =	vor.u32 s24, v3;
	v15 =	vld.idx.msk [tilespmem:v15+s3+$0x0], $0xffff  }
0x2a7: {  	v9 =	vadd.s32 s29, v2;
	v18 =	vor.u32 s24, v0;
	v7 =	vadd.s32 s29, v0;
	v19 =	vld.idx.msk [tilespmem:v8+s3+$0x0], $0xffff  }
0x2a8: {  	v12 =	vand.u32 $0x7FFFFFF8, v9;
	v10 =	vadd.s32 s29, v3;
	v7 =	vand.u32 $0x7FFFFFF8, v7  }
0x2a9: {  	v18 =	vand.u32 v1, v18;
	v11 =	vand.u32 $0x7FFFFFF8, v10;
	v10 =	vor.u32 v4, v7  }
0x2aa: {  	v7 =	vadd.s32 s30, v3;
	v8 =	vadd.s32 s30, v2;
	v16 =	vmul.f32 $1.280000000e+02, v16  }
0x2ab: {  	v9 =	vand.u32 $0x7FFFFFF8, v7;
	v7 =	vand.u32 $0x7FFFFFF8, v25;
	v15 =	vmul.f32 $1.280000000e+02, v15  }
0x2ac: {  	v25 =	vadd.s32 s31, v0;
	v19 =	vmul.f32 $1.280000000e+02, v19;
	v16 =	vtrunc.f32 v16  }
0x2ad: {  	v8 =	vand.u32 $0x7FFFFFF8, v8;
	v15 =	vtrunc.f32 v15;
	v28 =	vcvt.f32.s32 v16  }
0x2ae: {  	v16 =	vand.u32 $0x7FFFFFF8, v27;
	v27 =	vcvt.f32.s32 v15;
	v19 =	vtrunc.f32 v19  }
0x2af: {  	v15 =	vor.u32 v6, v26;
	v26 =	vcvt.f32.s32 v19;
	vm13 =	vgt.s32 v28, $0x0  }
0x2b0: {  	v19 =	vand.u32 $0x7FFFFFF8, v25;
	vm14 =	vgt.s32 v27, $0x0;
	v25 =	vnsel vm13, $0x0, v28  }
0x2b1: {  	v27 =	vnsel vm14, $0x0, v27;
	vm15 =	vgt.s32 v26, $0x0;
	v25 =	vmin.u32 v25, $0x7F  }
0x2b2: {  	v27 =	vmin.u32 v27, $0x7F;
	v28 =	vnsel vm15, $0x0, v26;
	v26 =	vor.u32 v5, v23  }
0x2b3: {  	v25 =	vshll.u32 v25, $0xE;
	v29 =	vshll.u32 v27, $0x7;
	v27 =	vor.u32 v6, v24  }
0x2b4: {  	s26 =	simm.s32 $0x6060;
	s22 =	simm.s32 $0x6060;
	s25 =	simm.s32 $0x4;
	v16 =	vor.u32 v5, v16;
	v23 =	vmin.u32 v28, $0x7F;
	v24 =	vor.u32 v29, v25  }
.LBB2_8:
0x2b5: {  	s25 =	sadd.s32 $0x4, s25;
	s24 =	sadd.s32 $0xC0, s24;
	s26 =	sadd.s32 $0x40, s26;
	v23 =	vor.u32 v23, v24  }
0x2b6: {  	v25 =	vor.u32 s24, v2;
	v28 =	vor.u32 s24, v3;
	s28 =	sadd.s32 $0x60, s24;
	s29 =	sadd.s32 $0x90, s24;
	p0 =	slt.u32 s25, $0x1FC;
	[tilespmem:s23+$0xFFFFFFF0] =	vst v23  }
0x2b7: {  	v29 =	vadd.s32 s28, v0;
	v23 =	vadd.s32 s28, v2;
	v30 =	vadd.s32 s28, v3;
	v26 =	vld.idx.msk [tilespmem:v26+s3+$0x0], $0xffff  }
0x2b8: {  	v31 =	vor.u32 s24, v0;
	v24 =	vand.u32 $0x7FFFFFF8, v23;
	v23 =	vand.u32 $0x7FFFFFF8, v30;
	v27 =	vld.idx.msk [tilespmem:v27+s3+$0x0], $0xffff  }
0x2b9: {  	v30 =	vand.u32 v1, v31;
	v29 =	vand.u32 $0x7FFFFFF8, v29;
	v31 =	vadd.s32 s29, v2  }
0x2ba: {  	v32 =	vadd.s32 s29, v3;
	v31 =	vand.u32 $0x7FFFFFF8, v31;
	v33 =	vld.idx.msk [tilespmem:v17+s3+$0x0], $0xffff;
	v17 =	vmovc v10;
	v10 =	vor.u32 v4, v29  }
0x2bb: {  	v32 =	vand.u32 $0x7FFFFFF8, v32;
	v29 =	vadd.s32 s29, v0  }
0x2bc: {  	v29 =	vand.u32 $0x7FFFFFF8, v29  }
0x2bd: {  	v26 =	vmul.f32 $1.280000000e+02, v26  }
0x2be: {  	v27 =	vmul.f32 $1.280000000e+02, v27  }
0x2bf: {  	v26 =	vtrunc.f32 v26  }
0x2c0: {  	v26 =	vcvt.f32.s32 v26;
	v27 =	vtrunc.f32 v27  }
0x2c1: {  	v33 =	vmul.f32 $1.280000000e+02, v33;
	v27 =	vcvt.f32.s32 v27  }
0x2c2: {  	vm0 =	vgt.s32 v26, $0x0  }
0x2c3: {  	v33 =	vtrunc.f32 v33;
	v26 =	vnsel vm0, $0x0, v26;
	vm0 =	vgt.s32 v27, $0x0  }
0x2c4: {  	v33 =	vcvt.f32.s32 v33;
	v26 =	vmin.u32 v26, $0x7F;
	v27 =	vnsel vm0, $0x0, v27  }
0x2c5: {  	v27 =	vmin.u32 v27, $0x7F  }
0x2c6: {  	v34 =	vor.u32 v5, v22;
	v22 =	vmovc v8;
	v8 =	vmovc v31;
	vm0 =	vgt.s32 v33, $0x0;
	v27 =	vshll.u32 v27, $0xE  }
0x2c7: {  	v26 =	vshll.u32 v26, $0x7;
	v31 =	vnsel vm0, $0x0, v33;
	v33 =	vor.u32 v6, v21;
	v21 =	vmovc v9;
	v9 =	vmovc v32  }
0x2c8: {  	v31 =	vmin.u32 v31, $0x7F;
	v26 =	vor.u32 v26, v27;
	v27 =	vor.u32 v4, v20;
	v20 =	vmovc v7;
	v7 =	vmovc v29  }
0x2c9: {  	v26 =	vor.u32 v31, v26  }
0x2ca: {  	[tilespmem:s23+$0x0] =	vst v26  }
0x2cb: {  	v26 =	vld.idx.msk [tilespmem:v34+s3+$0x0], $0xffff  }
0x2cc: {  	v29 =	vld.idx.msk [tilespmem:v33+s3+$0x0], $0xffff  }
0x2cd: {  	v27 =	vld.idx.msk [tilespmem:v27+s3+$0x0], $0xffff;
	_ =	sdelay $0x3  }
0x2ce: {  	v26 =	vmul.f32 $1.280000000e+02, v26  }
0x2cf: {  	v29 =	vmul.f32 $1.280000000e+02, v29  }
0x2d0: {  	v27 =	vmul.f32 $1.280000000e+02, v27;
	v26 =	vtrunc.f32 v26  }
0x2d1: {  	v26 =	vcvt.f32.s32 v26;
	v29 =	vtrunc.f32 v29  }
0x2d2: {  	v27 =	vtrunc.f32 v27;
	v29 =	vcvt.f32.s32 v29  }
0x2d3: {  	v27 =	vcvt.f32.s32 v27;
	vm0 =	vgt.s32 v26, $0x0  }
0x2d4: {  	v26 =	vnsel vm0, $0x0, v26;
	vm0 =	vgt.s32 v29, $0x0  }
0x2d5: {  	vm1 =	vgt.s32 v27, $0x0;
	v26 =	vmin.u32 v26, $0x7F;
	v29 =	vnsel vm0, $0x0, v29  }
0x2d6: {  	v27 =	vnsel vm1, $0x0, v27;
	v29 =	vmin.u32 v29, $0x7F  }
0x2d7: {  	v26 =	vshll.u32 v26, $0x7;
	v29 =	vshll.u32 v29, $0xE  }
0x2d8: {  	v27 =	vmin.u32 v27, $0x7F;
	v26 =	vor.u32 v26, v29  }
0x2d9: {  	v26 =	vor.u32 v27, v26  }
0x2da: {  	[tilespmem:s23+$0x10] =	vst v26;
	s23 =	smov.u32 s22;
	s22 =	smov.u32 s26  }
0x2db: {  	v26 =	vld.idx.msk [tilespmem:v14+s3+$0x0], $0xffff;
	v14 =	vmov v28  }
0x2dc: {  	v27 =	vld.idx.msk [tilespmem:v13+s3+$0x0], $0xffff;
	v13 =	vmov v25  }
0x2dd: {  	v25 =	vld.idx.msk [tilespmem:v18+s3+$0x0], $0xffff;
	v18 =	vmov v30;
	_ =	sdelay $0x2  }
0x2de: {  	s28 =	sadd.s32 $0x30, s24  }
0x2df: {  	v29 =	vadd.s32 s28, v3;
	v28 =	vadd.s32 s28, v0  }
0x2e0: {  	v29 =	vand.u32 $0x7FFFFFF8, v29;
	v26 =	vmul.f32 $1.280000000e+02, v26;
	v27 =	vmul.f32 $1.280000000e+02, v27  }
0x2e1: {  	v29 =	vor.u32 v6, v29;
	v30 =	vadd.s32 s28, v2;
	v25 =	vmul.f32 $1.280000000e+02, v25  }
0x2e2: {  	v30 =	vand.u32 $0x7FFFFFF8, v30;
	v26 =	vtrunc.f32 v26;
	v27 =	vtrunc.f32 v27  }
0x2e3: {  	v30 =	vor.u32 v5, v30;
	v26 =	vcvt.f32.s32 v26;
	v27 =	vcvt.f32.s32 v27  }
0x2e4: {  	v28 =	vand.u32 $0x7FFFFFF8, v28;
	v25 =	vtrunc.f32 v25  }
0x2e5: {  	v25 =	vcvt.f32.s32 v25;
	vm1 =	vgt.s32 v26, $0x0;
	vm0 =	vgt.s32 v27, $0x0  }
0x2e6: {  	v26 =	vnsel vm1, $0x0, v26;
	v27 =	vnsel vm0, $0x0, v27  }
0x2e7: {  	vm0 =	vgt.s32 v25, $0x0;
	v26 =	vmin.u32 v26, $0x7F;
	v27 =	vmin.u32 v27, $0x7F  }
0x2e8: {  	v25 =	vnsel vm0, $0x0, v25;
	v26 =	vshll.u32 v26, $0xE;
	v27 =	vshll.u32 v27, $0x7  }
0x2e9: {  	v25 =	vmin.u32 v25, $0x7F;
	v26 =	vor.u32 v27, v26;
	v27 =	vor.u32 v4, v19;
	v19 =	vmovc v28  }
0x2ea: {  	v25 =	vor.u32 v25, v26  }
0x2eb: {  	[tilespmem:s23+$0xFFFFFFE0] =	vst v25  }
0x2ec: {  	v25 =	vld.idx.msk [tilespmem:v15+s3+$0x0], $0xffff;
	v15 =	vmov v29  }
0x2ed: {  	v26 =	vld.idx.msk [tilespmem:v16+s3+$0x0], $0xffff;
	v16 =	vmov v30  }
0x2ee: {  	v27 =	vld.idx.msk [tilespmem:v27+s3+$0x0], $0xffff;
	_ =	sdelay $0x3  }
0x2ef: {  	v25 =	vmul.f32 $1.280000000e+02, v25  }
0x2f0: {  	v26 =	vmul.f32 $1.280000000e+02, v26  }
0x2f1: {  	v27 =	vmul.f32 $1.280000000e+02, v27;
	v25 =	vtrunc.f32 v25  }
0x2f2: {  	v26 =	vtrunc.f32 v26;
	v25 =	vcvt.f32.s32 v25  }
0x2f3: {  	v27 =	vtrunc.f32 v27;
	v26 =	vcvt.f32.s32 v26  }
0x2f4: {  	v27 =	vcvt.f32.s32 v27;
	vm0 =	vgt.s32 v25, $0x0  }
.Ltmp3:
0x2f5: {  	vm1 =	vgt.s32 v26, $0x0;
	v25 =	vnsel vm0, $0x0, v25;
	(pc) =	sbr.rel @p0 .LBB2_8-.Ltmp3, $4  }
0x2f6: {  	vm0 =	vgt.s32 v27, $0x0;
	v26 =	vnsel vm1, $0x0, v26;
	v25 =	vmin.u32 v25, $0x7F  }
0x2f7: {  	v28 =	vnsel vm0, $0x0, v27;
	v27 =	vmin.u32 v26, $0x7F;
	v26 =	vor.u32 v5, v12;
	v12 =	vmovc v24  }
0x2f8: {  	v24 =	vshll.u32 v25, $0xE;
	v25 =	vshll.u32 v27, $0x7;
	v27 =	vor.u32 v6, v11;
	v11 =	vmovc v23  }
0x2f9: {  	v23 =	vmin.u32 v28, $0x7F;
	v24 =	vor.u32 v25, v24  }
0x2fa: {  	_ =	sdelay $0x1  }
0x2fb: {  	v23 =	vor.u32 v23, v24  }
0x2fc: {  	[tilespmem:s23+$0xFFFFFFF0] =	vst v23  }
0x2fd: {  	v23 =	vld.idx.msk [tilespmem:v26+s3+$0x0], $0xffff  }
0x2fe: {  	v61 =	vld.idx.msk [tilespmem:v27+s3+$0x0], $0xffff  }
0x2ff: {  	v17 =	vld.idx.msk [tilespmem:v17+s3+$0x0], $0xffff;
	_ =	sdelay $0x3  }
0x300: {  	v23 =	vmul.f32 $1.280000000e+02, v23;
	v24 =	vmul.f32 $1.280000000e+02, v61  }
0x301: {  	v17 =	vmul.f32 $1.280000000e+02, v17  }
0x302: {  	v23 =	vtrunc.f32 v23;
	v24 =	vtrunc.f32 v24  }
0x303: {  	v23 =	vcvt.f32.s32 v23;
	v24 =	vcvt.f32.s32 v24  }
0x304: {  	v22 =	vor.u32 v5, v22;
	v17 =	vtrunc.f32 v17  }
0x305: {  	v17 =	vcvt.f32.s32 v17;
	vm0 =	vgt.s32 v23, $0x0;
	vm1 =	vgt.s32 v24, $0x0  }
0x306: {  	v21 =	vor.u32 v6, v21;
	v23 =	vnsel vm0, $0x0, v23;
	v24 =	vnsel vm1, $0x0, v24  }
0x307: {  	vm12 =	vgt.s32 v17, $0x0;
	v23 =	vmin.u32 v23, $0x7F;
	v24 =	vmin.u32 v24, $0x7F  }
0x308: {  	v17 =	vnsel vm12, $0x0, v17;
	v24 =	vshll.u32 v24, $0xE;
	v23 =	vshll.u32 v23, $0x7  }
0x309: {  	v20 =	vor.u32 v4, v20;
	v17 =	vmin.u32 v17, $0x7F;
	v23 =	vor.u32 v23, v24  }
0x30a: {  	v17 =	vor.u32 v17, v23  }
0x30b: {  	[tilespmem:s23+$0x0] =	vst v17  }
0x30c: {  	v17 =	vld.idx.msk [tilespmem:v22+s3+$0x0], $0xffff  }
0x30d: {  	v21 =	vld.idx.msk [tilespmem:v21+s3+$0x0], $0xffff  }
0x30e: {  	v20 =	vld.idx.msk [tilespmem:v20+s3+$0x0], $0xffff;
	_ =	sdelay $0x3  }
0x30f: {  	v17 =	vmul.f32 $1.280000000e+02, v17;
	v21 =	vmul.f32 $1.280000000e+02, v21  }
0x310: {  	v20 =	vmul.f32 $1.280000000e+02, v20  }
0x311: {  	v17 =	vtrunc.f32 v17;
	v21 =	vtrunc.f32 v21  }
0x312: {  	v17 =	vcvt.f32.s32 v17;
	v21 =	vcvt.f32.s32 v21  }
0x313: {  	v20 =	vtrunc.f32 v20  }
0x314: {  	v20 =	vcvt.f32.s32 v20;
	vm13 =	vgt.s32 v17, $0x0;
	vm14 =	vgt.s32 v21, $0x0  }
0x315: {  	v17 =	vnsel vm13, $0x0, v17;
	v21 =	vnsel vm14, $0x0, v21  }
0x316: {  	vm15 =	vgt.s32 v20, $0x0;
	v17 =	vmin.u32 v17, $0x7F;
	v21 =	vmin.u32 v21, $0x7F  }
0x317: {  	v20 =	vnsel vm15, $0x0, v20;
	v21 =	vshll.u32 v21, $0xE;
	v17 =	vshll.u32 v17, $0x7  }
0x318: {  	v20 =	vmin.u32 v20, $0x7F;
	v17 =	vor.u32 v17, v21  }
0x319: {  	v17 =	vor.u32 v20, v17  }
0x31a: {  	[tilespmem:s23+$0x10] =	vst v17  }
0x31b: {  	v14 =	vld.idx.msk [tilespmem:v14+s3+$0x0], $0xffff  }
0x31c: {  	v13 =	vld.idx.msk [tilespmem:v13+s3+$0x0], $0xffff  }
0x31d: {  	v17 =	vld.idx.msk [tilespmem:v18+s3+$0x0], $0xffff;
	_ =	sdelay $0x3  }
0x31e: {  	v13 =	vmul.f32 $1.280000000e+02, v13;
	v14 =	vmul.f32 $1.280000000e+02, v14  }
0x31f: {  	v17 =	vmul.f32 $1.280000000e+02, v17  }
0x320: {  	v13 =	vtrunc.f32 v13;
	v14 =	vtrunc.f32 v14  }
0x321: {  	v13 =	vcvt.f32.s32 v13;
	v14 =	vcvt.f32.s32 v14  }
0x322: {  	v17 =	vtrunc.f32 v17  }
0x323: {  	v17 =	vcvt.f32.s32 v17;
	vm4 =	vgt.s32 v13, $0x0;
	vm5 =	vgt.s32 v14, $0x0  }
0x324: {  	v13 =	vnsel vm4, $0x0, v13;
	v14 =	vnsel vm5, $0x0, v14  }
0x325: {  	vm6 =	vgt.s32 v17, $0x0;
	v13 =	vmin.u32 v13, $0x7F;
	v14 =	vmin.u32 v14, $0x7F  }
0x326: {  	v17 =	vnsel vm6, $0x0, v17;
	v14 =	vshll.u32 v14, $0xE;
	v13 =	vshll.u32 v13, $0x7  }
0x327: {  	v62 =	vor.u32 v4, v19;
	v17 =	vmin.u32 v17, $0x7F;
	v13 =	vor.u32 v13, v14  }
0x328: {  	v13 =	vor.u32 v17, v13  }
0x329: {  	[tilespmem:s22+$0xFFFFFFE0] =	vst v13  }
0x32a: {  	v13 =	vld.idx.msk [tilespmem:v15+s3+$0x0], $0xffff  }
0x32b: {  	v63 =	vld.idx.msk [tilespmem:v16+s3+$0x0], $0xffff  }
0x32c: {  	v14 =	vld.idx.msk [tilespmem:v62+s3+$0x0], $0xffff;
	_ =	sdelay $0x3  }
0x32d: {  	v13 =	vmul.f32 $1.280000000e+02, v13;
	v15 =	vmul.f32 $1.280000000e+02, v63  }
0x32e: {  	v14 =	vmul.f32 $1.280000000e+02, v14  }
0x32f: {  	v13 =	vtrunc.f32 v13;
	v15 =	vtrunc.f32 v15  }
0x330: {  	v13 =	vcvt.f32.s32 v13;
	v15 =	vcvt.f32.s32 v15  }
0x331: {  	v12 =	vor.u32 v5, v12;
	v14 =	vtrunc.f32 v14  }
0x332: {  	v14 =	vcvt.f32.s32 v14;
	vm7 =	vgt.s32 v13, $0x0;
	vm8 =	vgt.s32 v15, $0x0  }
0x333: {  	v11 =	vor.u32 v6, v11;
	v13 =	vnsel vm7, $0x0, v13;
	v15 =	vnsel vm8, $0x0, v15  }
0x334: {  	vm9 =	vgt.s32 v14, $0x0;
	v13 =	vmin.u32 v13, $0x7F;
	v15 =	vmin.u32 v15, $0x7F  }
0x335: {  	v14 =	vnsel vm9, $0x0, v14;
	v13 =	vshll.u32 v13, $0xE;
	v15 =	vshll.u32 v15, $0x7  }
0x336: {  	v14 =	vmin.u32 v14, $0x7F;
	v13 =	vor.u32 v15, v13  }
0x337: {  	v13 =	vor.u32 v14, v13  }
0x338: {  	[tilespmem:s22+$0xFFFFFFF0] =	vst v13  }
0x339: {  	v12 =	vld.idx.msk [tilespmem:v12+s3+$0x0], $0xffff  }
0x33a: {  	v11 =	vld.idx.msk [tilespmem:v11+s3+$0x0], $0xffff  }
0x33b: {  	v10 =	vld.idx.msk [tilespmem:v10+s3+$0x0], $0xffff;
	_ =	sdelay $0x3  }
0x33c: {  	v12 =	vmul.f32 $1.280000000e+02, v12;
	v11 =	vmul.f32 $1.280000000e+02, v11  }
0x33d: {  	v10 =	vmul.f32 $1.280000000e+02, v10  }
0x33e: {  	v12 =	vtrunc.f32 v12;
	v11 =	vtrunc.f32 v11  }
0x33f: {  	v12 =	vcvt.f32.s32 v12;
	v11 =	vcvt.f32.s32 v11  }
0x340: {  	v8 =	vor.u32 v5, v8;
	v10 =	vtrunc.f32 v10  }
0x341: {  	v10 =	vcvt.f32.s32 v10;
	vm10 =	vgt.s32 v12, $0x0;
	vm11 =	vgt.s32 v11, $0x0  }
0x342: {  	v9 =	vor.u32 v6, v9;
	v12 =	vnsel vm10, $0x0, v12;
	v11 =	vnsel vm11, $0x0, v11  }
0x343: {  	vm12 =	vgt.s32 v10, $0x0;
	v12 =	vmin.u32 v12, $0x7F;
	v11 =	vmin.u32 v11, $0x7F  }
0x344: {  	v10 =	vnsel vm12, $0x0, v10;
	v11 =	vshll.u32 v11, $0xE;
	v12 =	vshll.u32 v12, $0x7  }
0x345: {  	v7 =	vor.u32 v4, v7;
	v10 =	vmin.u32 v10, $0x7F;
	v11 =	vor.u32 v12, v11  }
0x346: {  	v10 =	vor.u32 v10, v11  }
0x347: {  	[tilespmem:s22+$0x0] =	vst v10  }
0x348: {  	v8 =	vld.idx.msk [tilespmem:v8+s3+$0x0], $0xffff  }
0x349: {  	v9 =	vld.idx.msk [tilespmem:v9+s3+$0x0], $0xffff  }
0x34a: {  	v7 =	vld.idx.msk [tilespmem:v7+s3+$0x0], $0xffff;
	_ =	sdelay $0x3  }
0x34b: {  	v8 =	vmul.f32 $1.280000000e+02, v8;
	v9 =	vmul.f32 $1.280000000e+02, v9  }
0x34c: {  	v7 =	vmul.f32 $1.280000000e+02, v7  }
0x34d: {  	v8 =	vtrunc.f32 v8;
	v9 =	vtrunc.f32 v9  }
0x34e: {  	v8 =	vcvt.f32.s32 v8;
	v9 =	vcvt.f32.s32 v9  }
0x34f: {  	v7 =	vtrunc.f32 v7  }
0x350: {  	v7 =	vcvt.f32.s32 v7;
	vm13 =	vgt.s32 v8, $0x0;
	vm14 =	vgt.s32 v9, $0x0  }
0x351: {  	v8 =	vnsel vm13, $0x0, v8;
	v9 =	vnsel vm14, $0x0, v9  }
0x352: {  	vm15 =	vgt.s32 v7, $0x0;
	v8 =	vmin.u32 v8, $0x7F;
	v9 =	vmin.u32 v9, $0x7F  }
0x353: {  	v7 =	vnsel vm15, $0x0, v7;
	v9 =	vshll.u32 v9, $0xE;
	v8 =	vshll.u32 v8, $0x7  }
0x354: {  	v7 =	vmin.u32 v7, $0x7F;
	v8 =	vor.u32 v8, v9  }
0x355: {  	v7 =	vor.u32 v7, v8  }
0x356: {  	[tilespmem:s22+$0x10] =	vst v7  }
0x357: {  	[tilespmem:s17], [sflag:$0x1] =	stream.indirect.gather [hbm4b:s1+s15], $0x1, s16, s15, $0xb8;
	[tilespmem:$0x1A000] =	vst v63  }
0x358: {  	_ =	swait.ge [sflag:s18], $0x2000  }
0x359: {  	[sflag:s18] =	ssyncset.done $0x0  }
0x35a: {  	[sflag:s18] =	ssyncadd.s32 $0xFFFFE000  }
0x35b: {  	[tilespmem:s19], [sflag:$0x2] =	stream.indirect.gather [hbm4b:s4+s15], $0x3, s17, s15, $0xb8;
	[tilespmem:$0x1A000] =	vst v63  }
0x35c: {  	s21 =	sadd.s32 $0x1, s21;
	_ =	swait.ge [sflag:s20], $0x6000  }
0x35d: {  	p0 =	sne.s32 s21, s13;
	[sflag:s20] =	ssyncset.done $0x0  }
.Ltmp4:
0x35e: {  	[sflag:s20] =	ssyncadd.s32 $0xFFFFA000;
	(pc) =	sbr.rel @p0 .LBB2_1-.Ltmp4, $4  }
0x35f: {  	[hbm4b:s12+s3] =	stream.linear.scatter [tilespmem:s19], [sflag:$0x3], $0x10000, $0x38;
	[tilespmem:$0x1A000] =	vst v63  }
0x360: {  	_ =	swait.ge [sflag:s14], $0x10000  }
0x361: {  	[sflag:s14] =	ssyncset.done $0x0  }
0x362: {  	[sflag:s14] =	ssyncadd.s32 $0xFFFF0000  }
0x363: {  	_ =	sfence.sel $0x180000  }
0x364: {  	[bflag:$0x0] =	sbarrier.arrive $0xFFFF  }
0x365: {  	p0 =	sne.s32 s2, $0x0;
	_ =	strace $0x90000047  }
0x366: {  	s0 =	sadd.s32 @!p0 $0x100000, s0;
	[bflag:$0x2] =	sbarrier.arrive $0xFFFF  }
0x367: {  	[sflag:s0] =	ssyncadd.tile.s32 @!p0 $0x1;
	_ =	shalt  }
.Lfunc_end2:
_tile_overlayer_lowered:
.L_overlay_start_2:
0x368: {  	(tag) =	ssettag $0x2  }
0x369: {  	s0 =	rddreg [dreg:$0x0];
	s2 =	stileid.u32  }
0x36a: {  	s1 =	rddreg [dreg:$0x1];
	p0 =	sne.s32 s2, $0x0  }
0x36b: {  	s3 =	rddreg [dreg:$0x2];
	[bflag:$0x3] =	sbarrier.arrive $0xFFFF;
	s2 =	simm.s32 @!p0 $0x1C03  }
0x36c: {  	[timem:s3], [sflag:s2] =	dma.local @!p0 [hbm:s0], s1  }
0x36d: {  	s0 =	simm.s32 @!p0 $0x3  }
0x36e: {  	_ =	swait.ge @!p0 [sflag:s0], s1  }
0x36f: {  	s1 =	ssub.s32 @!p0 $0x0, s1;
	[sflag:s0] =	ssyncset.done @!p0 $0x0  }
0x370: {  	[sflag:s0] =	ssyncadd.s32 @!p0 s1  }
0x371: {  	[bflag:$0x3] =	sbarrier.arrive $0xFFFF  }
0x372: {  	_ =	shalt  }

</sc_bundles>
